<compile_context>
chip_gen: v7x
topology: tpu7x:2x2x1
jax: 0.10.2.dev20260603
libtpu: 0.0.44.dev20260713+nightly
codegen_flags: <defaults>
</compile_context>

<pallas_src>
import functools

import jax
import jax.numpy as jnp
from jax import lax
from jax.experimental import pallas as pl
from jax.experimental.pallas import tpu as pltpu
from jax.experimental.pallas import tpu_sc as plsc

B = 4096
F = 26
V = 100000
D = 32
NUM = 13

_info = plsc.get_sparse_core_info()
_NC, _NS = _info.num_cores, _info.num_subcores
_NW = _NC * _NS


_H0 = 50048
_H1 = V - _H0
_H1A = 49920
_H1T = _H1 - _H1A
_NPAIR = F // 2


def _gather_body(tt_hbm, tail_hbm, cidx_hbm, out_hbm,
                 lane0, lane1, idxA, idxB, obA, obB,
                 sl0, sl1, siA, siB, soA, soB):
    w = lax.axis_index("c") * _NS + lax.axis_index("s")

    def fire_idx(f, idx_v, sem):
        return pltpu.make_async_copy(cidx_hbm.at[f], idx_v, sem)

    def fire_l0(f, sem):
        return pltpu.make_async_copy(
            tt_hbm.at[f].at[w].at[pl.ds(0, _H0)], lane0, sem)

    def fire_l1(f, sem):
        return pltpu.make_async_copy(
            tt_hbm.at[f].at[w].at[pl.ds(_H0, _H1A)],
            lane1.at[pl.ds(0, _H1A)], sem)

    def fire_l1t(f, sem):
        return pltpu.make_async_copy(
            tail_hbm.at[f].at[w], lane1.at[pl.ds(_H1A, 128)], sem)

    def fire_out(f, ob, sem):
        return pltpu.make_async_copy(ob, out_hbm.at[f * D + w], sem)

    def pass0(idx_v, ob):
        def grp(g, _):
            vb = idx_v[pl.ds(g * 16, 16)]
            m = vb < _H0
            vals = plsc.load_gather(lane0, [jnp.minimum(vb, _H0 - 1)])
            ob[pl.ds(g * 16, 16)] = jnp.where(m, vals, 0.0)
            return 0
        lax.fori_loop(0, B // 16, grp, 0, unroll=8)

    def pass1(idx_v, ob):
        def grp(g, _):
            vb = idx_v[pl.ds(g * 16, 16)] - _H0
            m = vb >= 0
            vals = plsc.load_gather(lane1, [jnp.maximum(vb, 0)])
            prev = ob[pl.ds(g * 16, 16)]
            ob[pl.ds(g * 16, 16)] = jnp.where(m, vals, prev)
            return 0
        lax.fori_loop(0, B // 16, grp, 0, unroll=8)

    fire_idx(0, idxA, siA).start()
    fire_idx(1, idxB, siB).start()
    fire_l0(0, sl0).start()
    fire_l1(0, sl1).start()
    fire_l1t(0, sl1).start()

    def body(k, _):
        f0 = 2 * k
        f1 = f0 + 1
        fire_idx(f0, idxA, siA).wait()

        @pl.when(k > 0)
        def _():
            fire_out(f0 - 2, obA, soA).wait()
        fire_l0(f0, sl0).wait()
        pass0(idxA, obA)
        fire_l0(f1, sl0).start()
        fire_l1(f0, sl1).wait()
        fire_l1t(f0, sl1).wait()
        pass1(idxA, obA)
        fire_l1(f1, sl1).start()
        fire_l1t(f1, sl1).start()
        fire_out(f0, obA, soA).start()

        @pl.when(k < _NPAIR - 1)
        def _():
            fire_idx(f0 + 2, idxA, siA).start()
        fire_idx(f1, idxB, siB).wait()

        @pl.when(k > 0)
        def _():
            fire_out(f1 - 2, obB, soB).wait()
        fire_l0(f1, sl0).wait()
        pass0(idxB, obB)

        @pl.when(k < _NPAIR - 1)
        def _():
            fire_l0(f0 + 2, sl0).start()
        fire_l1(f1, sl1).wait()
        fire_l1t(f1, sl1).wait()
        pass1(idxB, obB)

        @pl.when(k < _NPAIR - 1)
        def _():
            fire_l1(f0 + 2, sl1).start()
            fire_l1t(f0 + 2, sl1).start()
        fire_out(f1, obB, soB).start()

        @pl.when(k < _NPAIR - 1)
        def _():
            fire_idx(f1 + 2, idxB, siB).start()
        return 0

    lax.fori_loop(0, _NPAIR, body, 0, unroll=False)
    fire_out(F - 2, obA, soA).wait()
    fire_out(F - 1, obB, soB).wait()


_gather_call = functools.partial(
    pl.kernel,
    mesh=plsc.VectorSubcoreMesh(core_axis_name="c", subcore_axis_name="s"),
    out_type=jax.ShapeDtypeStruct((F * D, B), jnp.float32),
    compiler_params=pltpu.CompilerParams(needs_layout_passes=False),
    scratch_types=[
        pltpu.VMEM((_H0,), jnp.float32),
        pltpu.VMEM((_H1A + 128,), jnp.float32),
        pltpu.VMEM((B,), jnp.int32),
        pltpu.VMEM((B,), jnp.int32),
        pltpu.VMEM((B,), jnp.float32),
        pltpu.VMEM((B,), jnp.float32),
        pltpu.SemaphoreType.DMA,
        pltpu.SemaphoreType.DMA,
        pltpu.SemaphoreType.DMA,
        pltpu.SemaphoreType.DMA,
        pltpu.SemaphoreType.DMA,
        pltpu.SemaphoreType.DMA,
    ],
)(_gather_body)


def _mlp_body(embT_ref, numT_ref, w0eT_ref, w0nT_ref, b0_ref, w1T_ref, b1_ref,
              w2T_ref, b2_ref, w3T_ref, b3_ref, out_ref):
    bf = jnp.bfloat16
    h = jnp.dot(w0eT_ref[...], embT_ref[...].astype(bf),
                preferred_element_type=jnp.float32)
    h = h + jnp.dot(w0nT_ref[...], numT_ref[...], preferred_element_type=jnp.float32)
    h = jnp.maximum(h + b0_ref[...], 0.0)
    h = jnp.maximum(jnp.dot(w1T_ref[...], h.astype(bf), preferred_element_type=jnp.float32) + b1_ref[...], 0.0)
    h = jnp.maximum(jnp.dot(w2T_ref[...], h.astype(bf), preferred_element_type=jnp.float32) + b2_ref[...], 0.0)
    out_ref[...] = jnp.dot(w3T_ref[...], h.astype(bf), preferred_element_type=jnp.float32) + b3_ref[...]


_BB = 512


def _mlp_call(embT, numT, w0eT, w0nT, b0, w1T, b1, w2T, b2, w3T, b3):
    full = lambda shape: pl.BlockSpec(shape, lambda i: (0, 0))
    return pl.pallas_call(
        _mlp_body,
        grid=(B // _BB,),
        in_specs=[
            pl.BlockSpec((F * D, _BB), lambda i: (0, i)),
            pl.BlockSpec((NUM, _BB), lambda i: (0, i)),
            full(w0eT.shape), full(w0nT.shape), full(b0.shape),
            full(w1T.shape), full(b1.shape),
            full(w2T.shape), full(b2.shape),
            full(w3T.shape), full(b3.shape),
        ],
        out_specs=pl.BlockSpec((1, _BB), lambda i: (0, i)),
        out_shape=jax.ShapeDtypeStruct((1, B), jnp.float32),
    )(embT, numT, w0eT, w0nT, b0, w1T, b1, w2T, b2, w3T, b3)


@jax.jit
def kernel(numerical_features, cat_features, tables, W0, b0, W1, b1, W2, b2, W3, b3):
    tt = tables.transpose(0, 2, 1)
    tail = jnp.pad(tt[:, :, _H0 + _H1A:], ((0, 0), (0, 0), (0, 128 - _H1T)))
    cidx = cat_features.T
    embT = _gather_call(tt, tail, cidx)
    bf = jnp.bfloat16
    outT = _mlp_call(
        embT, numerical_features.T.astype(bf),
        W0[:F * D].T.astype(bf), W0[F * D:].T.astype(bf), b0.reshape(-1, 1),
        W1.T.astype(bf), b1.reshape(-1, 1), W2.T.astype(bf), b2.reshape(-1, 1),
        W3.T.astype(bf), b3.reshape(-1, 1),
    )
    return outT.reshape(B, 1)

# --- scband reference (transcript-rebuilt; emitter-appended) ---
"""Pipeline reference for scband-synthetic-model-tfde-15745350107764 (READ-ONLY COPY).

The authoritative reference and input builder live on the scoring server;
editing this copy changes nothing except your own understanding.
"""

import jax, jax.numpy as jnp
import numpy as np

B = 4096
F = 26
V = 100000
D = 32
NUM = 13
MLP_SIZES = [512, 256, 128]


def setup_inputs(seed: int = 0) -> dict:
    key = jax.random.key(seed)
    ks = jax.random.split(key, 16)
    inp = {}
    inp["numerical_features"] = jax.random.normal(ks[0], (B, NUM), dtype=jnp.float32)
    inp["cat_features"] = jax.random.randint(ks[1], (B, F), 0, V, dtype=jnp.int32)
    # 26 embedding tables, each [V, D], stacked as [F, V, D]
    inp["tables"] = jax.random.normal(ks[2], (F, V, D), dtype=jnp.float32) * 0.01
    # MLP params: in_dim = F*D + NUM -> 512 -> 256 -> 128 -> 1
    dims = [F * D + NUM] + MLP_SIZES + [1]
    for i in range(len(dims) - 1):
        fan_in = dims[i]
        inp[f"W{i}"] = jax.random.normal(ks[3 + i], (dims[i], dims[i + 1]), dtype=jnp.float32) * (1.0 / np.sqrt(fan_in))
        inp[f"b{i}"] = jnp.zeros((dims[i + 1],), dtype=jnp.float32)
    return inp


def reference(numerical_features, cat_features, tables, W0, b0, W1, b1, W2, b2, W3, b3):
    # embedding lookup: per-field gather from its own table, combiner='sum' with nnz=1 == plain lookup
    field_ids = jnp.arange(F, dtype=jnp.int32)[None, :]  # [1, F]
    emb = tables[field_ids, cat_features]  # [B, F, D]
    x = emb.reshape(emb.shape[0], F * D)
    # interact is None (interact_stride=None): concat embeddings + numerical features
    x = jnp.concatenate([x, numerical_features], axis=1)
    # MLP with relu, final linear to 1
    x = jax.nn.relu(x @ W0 + b0)
    x = jax.nn.relu(x @ W1 + b1)
    x = jax.nn.relu(x @ W2 + b2)
    x = x @ W3 + b3
    return x

if __name__ == "__main__":
    import jax
    _d = setup_inputs()
    print(jax.jit(kernel)(*tuple(_d.values())))

</pallas_src>

<mosaic_0001>
#map = affine_map<(d0, d1) -> (0, 0, 0)>
#map1 = affine_map<(d0, d1) -> (0, 0)>
module attributes {stable_mosaic.version = 14 : i64} {
  func.func @_gather_body(%arg0: i32, %arg1: i32, %arg2: memref<26x32x100000xf32, #tpu.memory_space<hbm>>, %arg3: memref<26x32x128xf32, #tpu.memory_space<hbm>>, %arg4: memref<26x4096xi32, #tpu.memory_space<hbm>>, %arg5: memref<832x4096xf32, #tpu.memory_space<hbm>>, %arg6: memref<50048xf32, #tpu.memory_space<vmem>>, %arg7: memref<50048xf32, #tpu.memory_space<vmem>>, %arg8: memref<4096xi32, #tpu.memory_space<vmem>>, %arg9: memref<4096xi32, #tpu.memory_space<vmem>>, %arg10: memref<4096xf32, #tpu.memory_space<vmem>>, %arg11: memref<4096xf32, #tpu.memory_space<vmem>>, %arg12: memref<!tpu.dma_semaphore, #tpu.memory_space<semaphore_mem>>, %arg13: memref<!tpu.dma_semaphore, #tpu.memory_space<semaphore_mem>>, %arg14: memref<!tpu.dma_semaphore, #tpu.memory_space<semaphore_mem>>, %arg15: memref<!tpu.dma_semaphore, #tpu.memory_space<semaphore_mem>>, %arg16: memref<!tpu.dma_semaphore, #tpu.memory_space<semaphore_mem>>, %arg17: memref<!tpu.dma_semaphore, #tpu.memory_space<semaphore_mem>>) attributes {dimension_semantics = [#tpu.dimension_semantics<core_parallel>, #tpu.dimension_semantics<subcore_parallel>], iteration_bounds = array<i64: 2, 16>, scalar_prefetch = 0 : i64, scratch_operands = 12 : i64, tpu.core_type = #tpu.core_type<sc_vector_subcore>, window_params = [{transform_indices = #map}, {transform_indices = #map}, {transform_indices = #map1}, {transform_indices = #map1}]} {
    %mul3A = arith.constant 16 : i32
    %mul3A_0 = arith.muli %arg0, %mul3A : i32
    %add3A = arith.addi %mul3A_0, %arg1 : i32
    %dma_start3A = arith.constant 0 : i32
    %dma_start3A_1 = arith.constant 0 : i32
    %dma_start3A_2 = tpu.memref_slice %arg4[%dma_start3A, %dma_start3A_1] : memref<26x4096xi32, #tpu.memory_space<hbm>> -> memref<1x4096xi32, #tpu.memory_space<hbm>>
    %dma_start3A_3 = tpu.memref_squeeze %dma_start3A_2 : memref<1x4096xi32, #tpu.memory_space<hbm>> -> memref<4096xi32, #tpu.memory_space<hbm>>
    %dma_start3A_4 = arith.constant 0 : i32
    %dma_start3A_5 = tpu.memref_slice %arg4[%dma_start3A, %dma_start3A_4] : memref<26x4096xi32, #tpu.memory_space<hbm>> -> memref<1x4096xi32, #tpu.memory_space<hbm>>
    %dma_start3A_6 = tpu.memref_squeeze %dma_start3A_5 : memref<1x4096xi32, #tpu.memory_space<hbm>> -> memref<4096xi32, #tpu.memory_space<hbm>>
    tpu.enqueue_dma source(%dma_start3A_6 : memref<4096xi32, #tpu.memory_space<hbm>>) target(%arg8 : memref<4096xi32, #tpu.memory_space<vmem>>) target_semaphore(%arg14 : memref<!tpu.dma_semaphore, #tpu.memory_space<semaphore_mem>>)
    %dma_start3A_7 = arith.constant 1 : i32
    %dma_start3A_8 = arith.constant 0 : i32
    %dma_start3A_9 = tpu.memref_slice %arg4[%dma_start3A_7, %dma_start3A_8] : memref<26x4096xi32, #tpu.memory_space<hbm>> -> memref<1x4096xi32, #tpu.memory_space<hbm>>
    %dma_start3A_10 = tpu.memref_squeeze %dma_start3A_9 : memref<1x4096xi32, #tpu.memory_space<hbm>> -> memref<4096xi32, #tpu.memory_space<hbm>>
    %dma_start3A_11 = arith.constant 0 : i32
    %dma_start3A_12 = tpu.memref_slice %arg4[%dma_start3A_7, %dma_start3A_11] : memref<26x4096xi32, #tpu.memory_space<hbm>> -> memref<1x4096xi32, #tpu.memory_space<hbm>>
    %dma_start3A_13 = tpu.memref_squeeze %dma_start3A_12 : memref<1x4096xi32, #tpu.memory_space<hbm>> -> memref<4096xi32, #tpu.memory_space<hbm>>
    tpu.enqueue_dma source(%dma_start3A_13 : memref<4096xi32, #tpu.memory_space<hbm>>) target(%arg9 : memref<4096xi32, #tpu.memory_space<vmem>>) target_semaphore(%arg15 : memref<!tpu.dma_semaphore, #tpu.memory_space<semaphore_mem>>)
    %dma_start3A_14 = arith.constant 0 : i32
    %dma_start3A_15 = arith.constant 0 : i32
    %dma_start3A_16 = arith.constant 0 : i32
    %dma_start3A_17 = tpu.memref_slice %arg2[%dma_start3A_14, %dma_start3A_15, %dma_start3A_16] : memref<26x32x100000xf32, #tpu.memory_space<hbm>> -> memref<1x32x100000xf32, #tpu.memory_space<hbm>>
    %dma_start3A_18 = tpu.memref_squeeze %dma_start3A_17 : memref<1x32x100000xf32, #tpu.memory_space<hbm>> -> memref<32x100000xf32, #tpu.memory_space<hbm>>
    %dma_start3A_19 = arith.constant 0 : i32
    %dma_start3A_20 = tpu.memref_slice %dma_start3A_18[%add3A, %dma_start3A_19] : memref<32x100000xf32, #tpu.memory_space<hbm>> -> memref<1x100000xf32, #tpu.memory_space<hbm>>
    %dma_start3A_21 = tpu.memref_squeeze %dma_start3A_20 : memref<1x100000xf32, #tpu.memory_space<hbm>> -> memref<100000xf32, #tpu.memory_space<hbm>>
    %dma_start3A_22 = arith.constant 0 : i32
    %dma_start3A_23 = tpu.memref_slice %dma_start3A_21[%dma_start3A_22] : memref<100000xf32, #tpu.memory_space<hbm>> -> memref<50048xf32, #tpu.memory_space<hbm>>
    %dma_start3A_24 = arith.constant 0 : i32
    %dma_start3A_25 = arith.constant 0 : i32
    %dma_start3A_26 = tpu.memref_slice %arg2[%dma_start3A_14, %dma_start3A_24, %dma_start3A_25] : memref<26x32x100000xf32, #tpu.memory_space<hbm>> -> memref<1x32x100000xf32, #tpu.memory_space<hbm>>
    %dma_start3A_27 = tpu.memref_squeeze %dma_start3A_26 : memref<1x32x100000xf32, #tpu.memory_space<hbm>> -> memref<32x100000xf32, #tpu.memory_space<hbm>>
    %dma_start3A_28 = arith.constant 0 : i32
    %dma_start3A_29 = tpu.memref_slice %dma_start3A_27[%add3A, %dma_start3A_28] : memref<32x100000xf32, #tpu.memory_space<hbm>> -> memref<1x100000xf32, #tpu.memory_space<hbm>>
    %dma_start3A_30 = tpu.memref_squeeze %dma_start3A_29 : memref<1x100000xf32, #tpu.memory_space<hbm>> -> memref<100000xf32, #tpu.memory_space<hbm>>
    %dma_start3A_31 = arith.constant 0 : i32
    %dma_start3A_32 = tpu.memref_slice %dma_start3A_30[%dma_start3A_31] : memref<100000xf32, #tpu.memory_space<hbm>> -> memref<50048xf32, #tpu.memory_space<hbm>>
    tpu.enqueue_dma source(%dma_start3A_32 : memref<50048xf32, #tpu.memory_space<hbm>>) target(%arg6 : memref<50048xf32, #tpu.memory_space<vmem>>) target_semaphore(%arg12 : memref<!tpu.dma_semaphore, #tpu.memory_space<semaphore_mem>>)
    %dma_start3A_33 = arith.constant 0 : i32
    %dma_start3A_34 = arith.constant 0 : i32
    %dma_start3A_35 = tpu.memref_slice %arg7[%dma_start3A_34] : memref<50048xf32, #tpu.memory_space<vmem>> -> memref<49920xf32, #tpu.memory_space<vmem>>
    %dma_start3A_36 = arith.constant 0 : i32
    %dma_start3A_37 = arith.constant 0 : i32
    %dma_start3A_38 = tpu.memref_slice %arg2[%dma_start3A_33, %dma_start3A_36, %dma_start3A_37] : memref<26x32x100000xf32, #tpu.memory_space<hbm>> -> memref<1x32x100000xf32, #tpu.memory_space<hbm>>
    %dma_start3A_39 = tpu.memref_squeeze %dma_start3A_38 : memref<1x32x100000xf32, #tpu.memory_space<hbm>> -> memref<32x100000xf32, #tpu.memory_space<hbm>>
    %dma_start3A_40 = arith.constant 0 : i32
    %dma_start3A_41 = tpu.memref_slice %dma_start3A_39[%add3A, %dma_start3A_40] : memref<32x100000xf32, #tpu.memory_space<hbm>> -> memref<1x100000xf32, #tpu.memory_space<hbm>>
    %dma_start3A_42 = tpu.memref_squeeze %dma_start3A_41 : memref<1x100000xf32, #tpu.memory_space<hbm>> -> memref<100000xf32, #tpu.memory_space<hbm>>
    %dma_start3A_43 = arith.constant 50048 : i32
    %dma_start3A_44 = tpu.memref_slice %dma_start3A_42[%dma_start3A_43] : memref<100000xf32, #tpu.memory_space<hbm>> -> memref<49920xf32, #tpu.memory_space<hbm>>
    %dma_start3A_45 = arith.constant 0 : i32
    %dma_start3A_46 = tpu.memref_slice %arg7[%dma_start3A_45] : memref<50048xf32, #tpu.memory_space<vmem>> -> memref<49920xf32, #tpu.memory_space<vmem>>
    %dma_start3A_47 = arith.constant 0 : i32
    %dma_start3A_48 = arith.constant 0 : i32
    %dma_start3A_49 = tpu.memref_slice %arg2[%dma_start3A_33, %dma_start3A_47, %dma_start3A_48] : memref<26x32x100000xf32, #tpu.memory_space<hbm>> -> memref<1x32x100000xf32, #tpu.memory_space<hbm>>
    %dma_start3A_50 = tpu.memref_squeeze %dma_start3A_49 : memref<1x32x100000xf32, #tpu.memory_space<hbm>> -> memref<32x100000xf32, #tpu.memory_space<hbm>>
    %dma_start3A_51 = arith.constant 0 : i32
    %dma_start3A_52 = tpu.memref_slice %dma_start3A_50[%add3A, %dma_start3A_51] : memref<32x100000xf32, #tpu.memory_space<hbm>> -> memref<1x100000xf32, #tpu.memory_space<hbm>>
    %dma_start3A_53 = tpu.memref_squeeze %dma_start3A_52 : memref<1x100000xf32, #tpu.memory_space<hbm>> -> memref<100000xf32, #tpu.memory_space<hbm>>
    %dma_start3A_54 = arith.constant 50048 : i32
    %dma_start3A_55 = tpu.memref_slice %dma_start3A_53[%dma_start3A_54] : memref<100000xf32, #tpu.memory_space<hbm>> -> memref<49920xf32, #tpu.memory_space<hbm>>
    tpu.enqueue_dma source(%dma_start3A_55 : memref<49920xf32, #tpu.memory_space<hbm>>) target(%dma_start3A_46 : memref<49920xf32, #tpu.memory_space<vmem>>) target_semaphore(%arg13 : memref<!tpu.dma_semaphore, #tpu.memory_space<semaphore_mem>>)
    %dma_start3A_56 = arith.constant 0 : i32
    %dma_start3A_57 = arith.constant 49920 : i32
    %dma_start3A_58 = tpu.memref_slice %arg7[%dma_start3A_57] : memref<50048xf32, #tpu.memory_space<vmem>> -> memref<128xf32, #tpu.memory_space<vmem>>
    %dma_start3A_59 = arith.constant 0 : i32
    %dma_start3A_60 = arith.constant 0 : i32
    %dma_start3A_61 = tpu.memref_slice %arg3[%dma_start3A_56, %dma_start3A_59, %dma_start3A_60] : memref<26x32x128xf32, #tpu.memory_space<hbm>> -> memref<1x32x128xf32, #tpu.memory_space<hbm>>
    %dma_start3A_62 = tpu.memref_squeeze %dma_start3A_61 : memref<1x32x128xf32, #tpu.memory_space<hbm>> -> memref<32x128xf32, #tpu.memory_space<hbm>>
    %dma_start3A_63 = arith.constant 0 : i32
    %dma_start3A_64 = tpu.memref_slice %dma_start3A_62[%add3A, %dma_start3A_63] : memref<32x128xf32, #tpu.memory_space<hbm>> -> memref<1x128xf32, #tpu.memory_space<hbm>>
    %dma_start3A_65 = tpu.memref_squeeze %dma_start3A_64 : memref<1x128xf32, #tpu.memory_space<hbm>> -> memref<128xf32, #tpu.memory_space<hbm>>
    %dma_start3A_66 = arith.constant 49920 : i32
    %dma_start3A_67 = tpu.memref_slice %arg7[%dma_start3A_66] : memref<50048xf32, #tpu.memory_space<vmem>> -> memref<128xf32, #tpu.memory_space<vmem>>
    %dma_start3A_68 = arith.constant 0 : i32
    %dma_start3A_69 = arith.constant 0 : i32
    %dma_start3A_70 = tpu.memref_slice %arg3[%dma_start3A_56, %dma_start3A_68, %dma_start3A_69] : memref<26x32x128xf32, #tpu.memory_space<hbm>> -> memref<1x32x128xf32, #tpu.memory_space<hbm>>
    %dma_start3A_71 = tpu.memref_squeeze %dma_start3A_70 : memref<1x32x128xf32, #tpu.memory_space<hbm>> -> memref<32x128xf32, #tpu.memory_space<hbm>>
    %dma_start3A_72 = arith.constant 0 : i32
    %dma_start3A_73 = tpu.memref_slice %dma_start3A_71[%add3A, %dma_start3A_72] : memref<32x128xf32, #tpu.memory_space<hbm>> -> memref<1x128xf32, #tpu.memory_space<hbm>>
    %dma_start3A_74 = tpu.memref_squeeze %dma_start3A_73 : memref<1x128xf32, #tpu.memory_space<hbm>> -> memref<128xf32, #tpu.memory_space<hbm>>
    tpu.enqueue_dma source(%dma_start3A_74 : memref<128xf32, #tpu.memory_space<hbm>>) target(%dma_start3A_67 : memref<128xf32, #tpu.memory_space<vmem>>) target_semaphore(%arg13 : memref<!tpu.dma_semaphore, #tpu.memory_space<semaphore_mem>>)
    %scan3A = arith.constant 0 : i32
    %scan3A_75 = arith.constant 0 : i32
    %scan3A_76 = arith.constant 13 : i32
    %scan3A_77 = arith.addi %scan3A_75, %scan3A_76 : i32
    %scan3A_78 = arith.constant 1 : i32
    %scan3A_79 = scf.for %scan3A_96 = %scan3A_75 to %scan3A_77 step %scan3A_78 iter_args(%scan3A_97 = %scan3A) -> (i32)  : i32 {
      %mul3A_98 = arith.constant 2 : i32
      %mul3A_99 = arith.muli %mul3A_98, %scan3A_96 : i32
      %add3A_100 = arith.constant 1 : i32
      %add3A_101 = arith.addi %mul3A_99, %add3A_100 : i32
      %dma_wait3A_102 = arith.constant 0 : i32
      %dma_wait3A_103 = tpu.memref_slice %arg4[%mul3A_99, %dma_wait3A_102] : memref<26x4096xi32, #tpu.memory_space<hbm>> -> memref<1x4096xi32, #tpu.memory_space<hbm>>
      %dma_wait3A_104 = tpu.memref_squeeze %dma_wait3A_103 : memref<1x4096xi32, #tpu.memory_space<hbm>> -> memref<4096xi32, #tpu.memory_space<hbm>>
      %dma_wait3A_105 = arith.constant 0 : i32
      %dma_wait3A_106 = tpu.memref_slice %arg4[%mul3A_99, %dma_wait3A_105] : memref<26x4096xi32, #tpu.memory_space<hbm>> -> memref<1x4096xi32, #tpu.memory_space<hbm>>
      %dma_wait3A_107 = tpu.memref_squeeze %dma_wait3A_106 : memref<1x4096xi32, #tpu.memory_space<hbm>> -> memref<4096xi32, #tpu.memory_space<hbm>>
      tpu.wait_dma2 semaphore(%arg14 : memref<!tpu.dma_semaphore, #tpu.memory_space<semaphore_mem>>) src(%dma_wait3A_107 : memref<4096xi32, #tpu.memory_space<hbm>>) dst(%arg8 : memref<4096xi32, #tpu.memory_space<vmem>>)
      %gt3A = arith.constant 0 : i32
      %gt3A_108 = arith.cmpi sgt, %scan3A_96, %gt3A : i32
      %convert_element_type3A = arith.extui %gt3A_108 : i1 to i32
      %cond3A = arith.constant 0 : i32
      %cond3A_109 = arith.cmpi ne, %convert_element_type3A, %cond3A : i32
      scf.if %cond3A_109 {
        %sub3A = arith.constant 2 : i32
        %sub3A_361 = arith.subi %mul3A_99, %sub3A : i32
        %mul3A_362 = arith.constant 32 : i32
        %mul3A_363 = arith.muli %sub3A_361, %mul3A_362 : i32
        %add3A_364 = arith.addi %mul3A_363, %add3A : i32
        %dma_wait3A_365 = arith.constant 0 : i32
        %dma_wait3A_366 = tpu.memref_slice %arg5[%add3A_364, %dma_wait3A_365] : memref<832x4096xf32, #tpu.memory_space<hbm>> -> memref<1x4096xf32, #tpu.memory_space<hbm>>
        %dma_wait3A_367 = tpu.memref_squeeze %dma_wait3A_366 : memref<1x4096xf32, #tpu.memory_space<hbm>> -> memref<4096xf32, #tpu.memory_space<hbm>>
        %dma_wait3A_368 = arith.constant 0 : i32
        %dma_wait3A_369 = tpu.memref_slice %arg5[%add3A_364, %dma_wait3A_368] : memref<832x4096xf32, #tpu.memory_space<hbm>> -> memref<1x4096xf32, #tpu.memory_space<hbm>>
        %dma_wait3A_370 = tpu.memref_squeeze %dma_wait3A_369 : memref<1x4096xf32, #tpu.memory_space<hbm>> -> memref<4096xf32, #tpu.memory_space<hbm>>
        tpu.wait_dma2 semaphore(%arg16 : memref<!tpu.dma_semaphore, #tpu.memory_space<semaphore_mem>>) src(%arg10 : memref<4096xf32, #tpu.memory_space<vmem>>) dst(%dma_wait3A_370 : memref<4096xf32, #tpu.memory_space<hbm>>)
      } else {
      }
      %dma_wait3A_110 = arith.constant 0 : i32
      %dma_wait3A_111 = arith.constant 0 : i32
      %dma_wait3A_112 = tpu.memref_slice %arg2[%mul3A_99, %dma_wait3A_110, %dma_wait3A_111] : memref<26x32x100000xf32, #tpu.memory_space<hbm>> -> memref<1x32x100000xf32, #tpu.memory_space<hbm>>
      %dma_wait3A_113 = tpu.memref_squeeze %dma_wait3A_112 : memref<1x32x100000xf32, #tpu.memory_space<hbm>> -> memref<32x100000xf32, #tpu.memory_space<hbm>>
      %dma_wait3A_114 = arith.constant 0 : i32
      %dma_wait3A_115 = tpu.memref_slice %dma_wait3A_113[%add3A, %dma_wait3A_114] : memref<32x100000xf32, #tpu.memory_space<hbm>> -> memref<1x100000xf32, #tpu.memory_space<hbm>>
      %dma_wait3A_116 = tpu.memref_squeeze %dma_wait3A_115 : memref<1x100000xf32, #tpu.memory_space<hbm>> -> memref<100000xf32, #tpu.memory_space<hbm>>
      %dma_wait3A_117 = arith.constant 0 : i32
      %dma_wait3A_118 = tpu.memref_slice %dma_wait3A_116[%dma_wait3A_117] : memref<100000xf32, #tpu.memory_space<hbm>> -> memref<50048xf32, #tpu.memory_space<hbm>>
      %dma_wait3A_119 = arith.constant 0 : i32
      %dma_wait3A_120 = arith.constant 0 : i32
      %dma_wait3A_121 = tpu.memref_slice %arg2[%mul3A_99, %dma_wait3A_119, %dma_wait3A_120] : memref<26x32x100000xf32, #tpu.memory_space<hbm>> -> memref<1x32x100000xf32, #tpu.memory_space<hbm>>
      %dma_wait3A_122 = tpu.memref_squeeze %dma_wait3A_121 : memref<1x32x100000xf32, #tpu.memory_space<hbm>> -> memref<32x100000xf32, #tpu.memory_space<hbm>>
      %dma_wait3A_123 = arith.constant 0 : i32
      %dma_wait3A_124 = tpu.memref_slice %dma_wait3A_122[%add3A, %dma_wait3A_123] : memref<32x100000xf32, #tpu.memory_space<hbm>> -> memref<1x100000xf32, #tpu.memory_space<hbm>>
      %dma_wait3A_125 = tpu.memref_squeeze %dma_wait3A_124 : memref<1x100000xf32, #tpu.memory_space<hbm>> -> memref<100000xf32, #tpu.memory_space<hbm>>
      %dma_wait3A_126 = arith.constant 0 : i32
      %dma_wait3A_127 = tpu.memref_slice %dma_wait3A_125[%dma_wait3A_126] : memref<100000xf32, #tpu.memory_space<hbm>> -> memref<50048xf32, #tpu.memory_space<hbm>>
      tpu.wait_dma2 semaphore(%arg12 : memref<!tpu.dma_semaphore, #tpu.memory_space<semaphore_mem>>) src(%dma_wait3A_127 : memref<50048xf32, #tpu.memory_space<hbm>>) dst(%arg6 : memref<50048xf32, #tpu.memory_space<vmem>>)
      %scan3A_128 = arith.constant 0 : i32
      %scan3A_129 = arith.constant 0 : i32
      %scan3A_130 = arith.constant 256 : i32
      %scan3A_131 = arith.addi %scan3A_129, %scan3A_130 : i32
      %scan3A_132 = arith.constant 8 : i32
      %scan3A_133 = scf.for %scan3A_361 = %scan3A_129 to %scan3A_131 step %scan3A_132 iter_args(%scan3A_362 = %scan3A_128) -> (i32)  : i32 {
        %mul3A_363 = arith.constant 16 : i32
        %mul3A_364 = arith.muli %scan3A_361, %mul3A_363 : i32
        %get3A = arith.index_cast %mul3A_364 : i32 to index
        %get3A_365 = tpu.vector_load %arg8[%get3A] {strides = array<i32>} : memref<4096xi32, #tpu.memory_space<vmem>>, vector<16xi32>,
        %lt3A_366 = arith.constant 50048 : i32
        %lt3A_367 = vector.broadcast %lt3A_366 : i32 to vector<16xi32>
        %lt3A_368 = arith.cmpi slt, %get3A_365, %lt3A_367 : vector<16xi32>
        %min3A = arith.constant 50047 : i32
        %min3A_369 = vector.broadcast %min3A : i32 to vector<16xi32>
        %min3A_370 = arith.minsi %get3A_365, %min3A_369 : vector<16xi32>
        %gather3A = tpu.vector_load_idx %arg6[%min3A_370] : memref<50048xf32, #tpu.memory_space<vmem>>[vector<16xi32>], vector<16xf32>,
        %jit3A = arith.constant 0.000000e+00 : f32
        %broadcast_in_dim3A = vector.broadcast %jit3A : f32 to vector<16xf32>
        %select_n3A = arith.select %lt3A_368, %gather3A, %broadcast_in_dim3A : vector<16xi1>, vector<16xf32>
        %mul3A_371 = arith.constant 16 : i32
        %mul3A_372 = arith.muli %scan3A_361, %mul3A_371 : i32
        %swap3A = arith.index_cast %mul3A_372 : i32 to index
        %swap3A_373 = tpu.vector_load %arg10[%swap3A] {strides = array<i32>} : memref<4096xf32, #tpu.memory_space<vmem>>, vector<16xf32>,
        tpu.vector_store %arg10[%swap3A], %select_n3A {strides = array<i32>} : memref<4096xf32, #tpu.memory_space<vmem>>, vector<16xf32>,
        %scan3A_374 = arith.constant 0 : i32
        %scan3A_375 = arith.constant 1 : i32
        %scan3A_376 = arith.addi %scan3A_361, %scan3A_375 : i32
        %mul3A_377 = arith.constant 16 : i32
        %mul3A_378 = arith.muli %scan3A_376, %mul3A_377 : i32
        %get3A_379 = arith.index_cast %mul3A_378 : i32 to index
        %get3A_380 = tpu.vector_load %arg8[%get3A_379] {strides = array<i32>} : memref<4096xi32, #tpu.memory_space<vmem>>, vector<16xi32>,
        %lt3A_381 = arith.constant 50048 : i32
        %lt3A_382 = vector.broadcast %lt3A_381 : i32 to vector<16xi32>
        %lt3A_383 = arith.cmpi slt, %get3A_380, %lt3A_382 : vector<16xi32>
        %min3A_384 = arith.constant 50047 : i32
        %min3A_385 = vector.broadcast %min3A_384 : i32 to vector<16xi32>
        %min3A_386 = arith.minsi %get3A_380, %min3A_385 : vector<16xi32>
        %gather3A_387 = tpu.vector_load_idx %arg6[%min3A_386] : memref<50048xf32, #tpu.memory_space<vmem>>[vector<16xi32>], vector<16xf32>,
        %jit3A_388 = arith.constant 0.000000e+00 : f32
        %broadcast_in_dim3A_389 = vector.broadcast %jit3A_388 : f32 to vector<16xf32>
        %select_n3A_390 = arith.select %lt3A_383, %gather3A_387, %broadcast_in_dim3A_389 : vector<16xi1>, vector<16xf32>
        %mul3A_391 = arith.constant 16 : i32
        %mul3A_392 = arith.muli %scan3A_376, %mul3A_391 : i32
        %swap3A_393 = arith.index_cast %mul3A_392 : i32 to index
        %swap3A_394 = tpu.vector_load %arg10[%swap3A_393] {strides = array<i32>} : memref<4096xf32, #tpu.memory_space<vmem>>, vector<16xf32>,
        tpu.vector_store %arg10[%swap3A_393], %select_n3A_390 {strides = array<i32>} : memref<4096xf32, #tpu.memory_space<vmem>>, vector<16xf32>,
        %scan3A_395 = arith.constant 0 : i32
        %scan3A_396 = arith.constant 2 : i32
        %scan3A_397 = arith.addi %scan3A_361, %scan3A_396 : i32
        %mul3A_398 = arith.constant 16 : i32
        %mul3A_399 = arith.muli %scan3A_397, %mul3A_398 : i32
        %get3A_400 = arith.index_cast %mul3A_399 : i32 to index
        %get3A_401 = tpu.vector_load %arg8[%get3A_400] {strides = array<i32>} : memref<4096xi32, #tpu.memory_space<vmem>>, vector<16xi32>,
        %lt3A_402 = arith.constant 50048 : i32
        %lt3A_403 = vector.broadcast %lt3A_402 : i32 to vector<16xi32>
        %lt3A_404 = arith.cmpi slt, %get3A_401, %lt3A_403 : vector<16xi32>
        %min3A_405 = arith.constant 50047 : i32
        %min3A_406 = vector.broadcast %min3A_405 : i32 to vector<16xi32>
        %min3A_407 = arith.minsi %get3A_401, %min3A_406 : vector<16xi32>
        %gather3A_408 = tpu.vector_load_idx %arg6[%min3A_407] : memref<50048xf32, #tpu.memory_space<vmem>>[vector<16xi32>], vector<16xf32>,
        %jit3A_409 = arith.constant 0.000000e+00 : f32
        %broadcast_in_dim3A_410 = vector.broadcast %jit3A_409 : f32 to vector<16xf32>
        %select_n3A_411 = arith.select %lt3A_404, %gather3A_408, %broadcast_in_dim3A_410 : vector<16xi1>, vector<16xf32>
        %mul3A_412 = arith.constant 16 : i32
        %mul3A_413 = arith.muli %scan3A_397, %mul3A_412 : i32
        %swap3A_414 = arith.index_cast %mul3A_413 : i32 to index
        %swap3A_415 = tpu.vector_load %arg10[%swap3A_414] {strides = array<i32>} : memref<4096xf32, #tpu.memory_space<vmem>>, vector<16xf32>,
        tpu.vector_store %arg10[%swap3A_414], %select_n3A_411 {strides = array<i32>} : memref<4096xf32, #tpu.memory_space<vmem>>, vector<16xf32>,
        %scan3A_416 = arith.constant 0 : i32
        %scan3A_417 = arith.constant 3 : i32
        %scan3A_418 = arith.addi %scan3A_361, %scan3A_417 : i32
        %mul3A_419 = arith.constant 16 : i32
        %mul3A_420 = arith.muli %scan3A_418, %mul3A_419 : i32
        %get3A_421 = arith.index_cast %mul3A_420 : i32 to index
        %get3A_422 = tpu.vector_load %arg8[%get3A_421] {strides = array<i32>} : memref<4096xi32, #tpu.memory_space<vmem>>, vector<16xi32>,
        %lt3A_423 = arith.constant 50048 : i32
        %lt3A_424 = vector.broadcast %lt3A_423 : i32 to vector<16xi32>
        %lt3A_425 = arith.cmpi slt, %get3A_422, %lt3A_424 : vector<16xi32>
        %min3A_426 = arith.constant 50047 : i32
        %min3A_427 = vector.broadcast %min3A_426 : i32 to vector<16xi32>
        %min3A_428 = arith.minsi %get3A_422, %min3A_427 : vector<16xi32>
        %gather3A_429 = tpu.vector_load_idx %arg6[%min3A_428] : memref<50048xf32, #tpu.memory_space<vmem>>[vector<16xi32>], vector<16xf32>,
        %jit3A_430 = arith.constant 0.000000e+00 : f32
        %broadcast_in_dim3A_431 = vector.broadcast %jit3A_430 : f32 to vector<16xf32>
        %select_n3A_432 = arith.select %lt3A_425, %gather3A_429, %broadcast_in_dim3A_431 : vector<16xi1>, vector<16xf32>
        %mul3A_433 = arith.constant 16 : i32
        %mul3A_434 = arith.muli %scan3A_418, %mul3A_433 : i32
        %swap3A_435 = arith.index_cast %mul3A_434 : i32 to index
        %swap3A_436 = tpu.vector_load %arg10[%swap3A_435] {strides = array<i32>} : memref<4096xf32, #tpu.memory_space<vmem>>, vector<16xf32>,
        tpu.vector_store %arg10[%swap3A_435], %select_n3A_432 {strides = array<i32>} : memref<4096xf32, #tpu.memory_space<vmem>>, vector<16xf32>,
        %scan3A_437 = arith.constant 0 : i32
        %scan3A_438 = arith.constant 4 : i32
        %scan3A_439 = arith.addi %scan3A_361, %scan3A_438 : i32
        %mul3A_440 = arith.constant 16 : i32
        %mul3A_441 = arith.muli %scan3A_439, %mul3A_440 : i32
        %get3A_442 = arith.index_cast %mul3A_441 : i32 to index
        %get3A_443 = tpu.vector_load %arg8[%get3A_442] {strides = array<i32>} : memref<4096xi32, #tpu.memory_space<vmem>>, vector<16xi32>,
        %lt3A_444 = arith.constant 50048 : i32
        %lt3A_445 = vector.broadcast %lt3A_444 : i32 to vector<16xi32>
        %lt3A_446 = arith.cmpi slt, %get3A_443, %lt3A_445 : vector<16xi32>
        %min3A_447 = arith.constant 50047 : i32
        %min3A_448 = vector.broadcast %min3A_447 : i32 to vector<16xi32>
        %min3A_449 = arith.minsi %get3A_443, %min3A_448 : vector<16xi32>
        %gather3A_450 = tpu.vector_load_idx %arg6[%min3A_449] : memref<50048xf32, #tpu.memory_space<vmem>>[vector<16xi32>], vector<16xf32>,
        %jit3A_451 = arith.constant 0.000000e+00 : f32
        %broadcast_in_dim3A_452 = vector.broadcast %jit3A_451 : f32 to vector<16xf32>
        %select_n3A_453 = arith.select %lt3A_446, %gather3A_450, %broadcast_in_dim3A_452 : vector<16xi1>, vector<16xf32>
        %mul3A_454 = arith.constant 16 : i32
        %mul3A_455 = arith.muli %scan3A_439, %mul3A_454 : i32
        %swap3A_456 = arith.index_cast %mul3A_455 : i32 to index
        %swap3A_457 = tpu.vector_load %arg10[%swap3A_456] {strides = array<i32>} : memref<4096xf32, #tpu.memory_space<vmem>>, vector<16xf32>,
        tpu.vector_store %arg10[%swap3A_456], %select_n3A_453 {strides = array<i32>} : memref<4096xf32, #tpu.memory_space<vmem>>, vector<16xf32>,
        %scan3A_458 = arith.constant 0 : i32
        %scan3A_459 = arith.constant 5 : i32
        %scan3A_460 = arith.addi %scan3A_361, %scan3A_459 : i32
        %mul3A_461 = arith.constant 16 : i32
        %mul3A_462 = arith.muli %scan3A_460, %mul3A_461 : i32
        %get3A_463 = arith.index_cast %mul3A_462 : i32 to index
        %get3A_464 = tpu.vector_load %arg8[%get3A_463] {strides = array<i32>} : memref<4096xi32, #tpu.memory_space<vmem>>, vector<16xi32>,
        %lt3A_465 = arith.constant 50048 : i32
        %lt3A_466 = vector.broadcast %lt3A_465 : i32 to vector<16xi32>
        %lt3A_467 = arith.cmpi slt, %get3A_464, %lt3A_466 : vector<16xi32>
        %min3A_468 = arith.constant 50047 : i32
        %min3A_469 = vector.broadcast %min3A_468 : i32 to vector<16xi32>
        %min3A_470 = arith.minsi %get3A_464, %min3A_469 : vector<16xi32>
        %gather3A_471 = tpu.vector_load_idx %arg6[%min3A_470] : memref<50048xf32, #tpu.memory_space<vmem>>[vector<16xi32>], vector<16xf32>,
        %jit3A_472 = arith.constant 0.000000e+00 : f32
        %broadcast_in_dim3A_473 = vector.broadcast %jit3A_472 : f32 to vector<16xf32>
        %select_n3A_474 = arith.select %lt3A_467, %gather3A_471, %broadcast_in_dim3A_473 : vector<16xi1>, vector<16xf32>
        %mul3A_475 = arith.constant 16 : i32
        %mul3A_476 = arith.muli %scan3A_460, %mul3A_475 : i32
        %swap3A_477 = arith.index_cast %mul3A_476 : i32 to index
        %swap3A_478 = tpu.vector_load %arg10[%swap3A_477] {strides = array<i32>} : memref<4096xf32, #tpu.memory_space<vmem>>, vector<16xf32>,
        tpu.vector_store %arg10[%swap3A_477], %select_n3A_474 {strides = array<i32>} : memref<4096xf32, #tpu.memory_space<vmem>>, vector<16xf32>,
        %scan3A_479 = arith.constant 0 : i32
        %scan3A_480 = arith.constant 6 : i32
        %scan3A_481 = arith.addi %scan3A_361, %scan3A_480 : i32
        %mul3A_482 = arith.constant 16 : i32
        %mul3A_483 = arith.muli %scan3A_481, %mul3A_482 : i32
        %get3A_484 = arith.index_cast %mul3A_483 : i32 to index
        %get3A_485 = tpu.vector_load %arg8[%get3A_484] {strides = array<i32>} : memref<4096xi32, #tpu.memory_space<vmem>>, vector<16xi32>,
        %lt3A_486 = arith.constant 50048 : i32
        %lt3A_487 = vector.broadcast %lt3A_486 : i32 to vector<16xi32>
        %lt3A_488 = arith.cmpi slt, %get3A_485, %lt3A_487 : vector<16xi32>
        %min3A_489 = arith.constant 50047 : i32
        %min3A_490 = vector.broadcast %min3A_489 : i32 to vector<16xi32>
        %min3A_491 = arith.minsi %get3A_485, %min3A_490 : vector<16xi32>
        %gather3A_492 = tpu.vector_load_idx %arg6[%min3A_491] : memref<50048xf32, #tpu.memory_space<vmem>>[vector<16xi32>], vector<16xf32>,
        %jit3A_493 = arith.constant 0.000000e+00 : f32
        %broadcast_in_dim3A_494 = vector.broadcast %jit3A_493 : f32 to vector<16xf32>
        %select_n3A_495 = arith.select %lt3A_488, %gather3A_492, %broadcast_in_dim3A_494 : vector<16xi1>, vector<16xf32>
        %mul3A_496 = arith.constant 16 : i32
        %mul3A_497 = arith.muli %scan3A_481, %mul3A_496 : i32
        %swap3A_498 = arith.index_cast %mul3A_497 : i32 to index
        %swap3A_499 = tpu.vector_load %arg10[%swap3A_498] {strides = array<i32>} : memref<4096xf32, #tpu.memory_space<vmem>>, vector<16xf32>,
        tpu.vector_store %arg10[%swap3A_498], %select_n3A_495 {strides = array<i32>} : memref<4096xf32, #tpu.memory_space<vmem>>, vector<16xf32>,
        %scan3A_500 = arith.constant 0 : i32
        %scan3A_501 = arith.constant 7 : i32
        %scan3A_502 = arith.addi %scan3A_361, %scan3A_501 : i32
        %mul3A_503 = arith.constant 16 : i32
        %mul3A_504 = arith.muli %scan3A_502, %mul3A_503 : i32
        %get3A_505 = arith.index_cast %mul3A_504 : i32 to index
        %get3A_506 = tpu.vector_load %arg8[%get3A_505] {strides = array<i32>} : memref<4096xi32, #tpu.memory_space<vmem>>, vector<16xi32>,
        %lt3A_507 = arith.constant 50048 : i32
        %lt3A_508 = vector.broadcast %lt3A_507 : i32 to vector<16xi32>
        %lt3A_509 = arith.cmpi slt, %get3A_506, %lt3A_508 : vector<16xi32>
        %min3A_510 = arith.constant 50047 : i32
        %min3A_511 = vector.broadcast %min3A_510 : i32 to vector<16xi32>
        %min3A_512 = arith.minsi %get3A_506, %min3A_511 : vector<16xi32>
        %gather3A_513 = tpu.vector_load_idx %arg6[%min3A_512] : memref<50048xf32, #tpu.memory_space<vmem>>[vector<16xi32>], vector<16xf32>,
        %jit3A_514 = arith.constant 0.000000e+00 : f32
        %broadcast_in_dim3A_515 = vector.broadcast %jit3A_514 : f32 to vector<16xf32>
        %select_n3A_516 = arith.select %lt3A_509, %gather3A_513, %broadcast_in_dim3A_515 : vector<16xi1>, vector<16xf32>
        %mul3A_517 = arith.constant 16 : i32
        %mul3A_518 = arith.muli %scan3A_502, %mul3A_517 : i32
        %swap3A_519 = arith.index_cast %mul3A_518 : i32 to index
        %swap3A_520 = tpu.vector_load %arg10[%swap3A_519] {strides = array<i32>} : memref<4096xf32, #tpu.memory_space<vmem>>, vector<16xf32>,
        tpu.vector_store %arg10[%swap3A_519], %select_n3A_516 {strides = array<i32>} : memref<4096xf32, #tpu.memory_space<vmem>>, vector<16xf32>,
        %scan3A_521 = arith.constant 0 : i32
        scf.yield %scan3A_521 : i32
      }
      %scan3A_134 = arith.constant 256 : i32
      %dma_start3A_135 = arith.constant 0 : i32
      %dma_start3A_136 = arith.constant 0 : i32
      %dma_start3A_137 = tpu.memref_slice %arg2[%add3A_101, %dma_start3A_135, %dma_start3A_136] : memref<26x32x100000xf32, #tpu.memory_space<hbm>> -> memref<1x32x100000xf32, #tpu.memory_space<hbm>>
      %dma_start3A_138 = tpu.memref_squeeze %dma_start3A_137 : memref<1x32x100000xf32, #tpu.memory_space<hbm>> -> memref<32x100000xf32, #tpu.memory_space<hbm>>
      %dma_start3A_139 = arith.constant 0 : i32
      %dma_start3A_140 = tpu.memref_slice %dma_start3A_138[%add3A, %dma_start3A_139] : memref<32x100000xf32, #tpu.memory_space<hbm>> -> memref<1x100000xf32, #tpu.memory_space<hbm>>
      %dma_start3A_141 = tpu.memref_squeeze %dma_start3A_140 : memref<1x100000xf32, #tpu.memory_space<hbm>> -> memref<100000xf32, #tpu.memory_space<hbm>>
      %dma_start3A_142 = arith.constant 0 : i32
      %dma_start3A_143 = tpu.memref_slice %dma_start3A_141[%dma_start3A_142] : memref<100000xf32, #tpu.memory_space<hbm>> -> memref<50048xf32, #tpu.memory_space<hbm>>
      %dma_start3A_144 = arith.constant 0 : i32
      %dma_start3A_145 = arith.constant 0 : i32
      %dma_start3A_146 = tpu.memref_slice %arg2[%add3A_101, %dma_start3A_144, %dma_start3A_145] : memref<26x32x100000xf32, #tpu.memory_space<hbm>> -> memref<1x32x100000xf32, #tpu.memory_space<hbm>>
      %dma_start3A_147 = tpu.memref_squeeze %dma_start3A_146 : memref<1x32x100000xf32, #tpu.memory_space<hbm>> -> memref<32x100000xf32, #tpu.memory_space<hbm>>
      %dma_start3A_148 = arith.constant 0 : i32
      %dma_start3A_149 = tpu.memref_slice %dma_start3A_147[%add3A, %dma_start3A_148] : memref<32x100000xf32, #tpu.memory_space<hbm>> -> memref<1x100000xf32, #tpu.memory_space<hbm>>
      %dma_start3A_150 = tpu.memref_squeeze %dma_start3A_149 : memref<1x100000xf32, #tpu.memory_space<hbm>> -> memref<100000xf32, #tpu.memory_space<hbm>>
      %dma_start3A_151 = arith.constant 0 : i32
      %dma_start3A_152 = tpu.memref_slice %dma_start3A_150[%dma_start3A_151] : memref<100000xf32, #tpu.memory_space<hbm>> -> memref<50048xf32, #tpu.memory_space<hbm>>
      tpu.enqueue_dma source(%dma_start3A_152 : memref<50048xf32, #tpu.memory_space<hbm>>) target(%arg6 : memref<50048xf32, #tpu.memory_space<vmem>>) target_semaphore(%arg12 : memref<!tpu.dma_semaphore, #tpu.memory_space<semaphore_mem>>)
      %dma_wait3A_153 = arith.constant 0 : i32
      %dma_wait3A_154 = tpu.memref_slice %arg7[%dma_wait3A_153] : memref<50048xf32, #tpu.memory_space<vmem>> -> memref<49920xf32, #tpu.memory_space<vmem>>
      %dma_wait3A_155 = arith.constant 0 : i32
      %dma_wait3A_156 = arith.constant 0 : i32
      %dma_wait3A_157 = tpu.memref_slice %arg2[%mul3A_99, %dma_wait3A_155, %dma_wait3A_156] : memref<26x32x100000xf32, #tpu.memory_space<hbm>> -> memref<1x32x100000xf32, #tpu.memory_space<hbm>>
      %dma_wait3A_158 = tpu.memref_squeeze %dma_wait3A_157 : memref<1x32x100000xf32, #tpu.memory_space<hbm>> -> memref<32x100000xf32, #tpu.memory_space<hbm>>
      %dma_wait3A_159 = arith.constant 0 : i32
      %dma_wait3A_160 = tpu.memref_slice %dma_wait3A_158[%add3A, %dma_wait3A_159] : memref<32x100000xf32, #tpu.memory_space<hbm>> -> memref<1x100000xf32, #tpu.memory_space<hbm>>
      %dma_wait3A_161 = tpu.memref_squeeze %dma_wait3A_160 : memref<1x100000xf32, #tpu.memory_space<hbm>> -> memref<100000xf32, #tpu.memory_space<hbm>>
      %dma_wait3A_162 = arith.constant 50048 : i32
      %dma_wait3A_163 = tpu.memref_slice %dma_wait3A_161[%dma_wait3A_162] : memref<100000xf32, #tpu.memory_space<hbm>> -> memref<49920xf32, #tpu.memory_space<hbm>>
      %dma_wait3A_164 = arith.constant 0 : i32
      %dma_wait3A_165 = tpu.memref_slice %arg7[%dma_wait3A_164] : memref<50048xf32, #tpu.memory_space<vmem>> -> memref<49920xf32, #tpu.memory_space<vmem>>
      %dma_wait3A_166 = arith.constant 0 : i32
      %dma_wait3A_167 = arith.constant 0 : i32
      %dma_wait3A_168 = tpu.memref_slice %arg2[%mul3A_99, %dma_wait3A_166, %dma_wait3A_167] : memref<26x32x100000xf32, #tpu.memory_space<hbm>> -> memref<1x32x100000xf32, #tpu.memory_space<hbm>>
      %dma_wait3A_169 = tpu.memref_squeeze %dma_wait3A_168 : memref<1x32x100000xf32, #tpu.memory_space<hbm>> -> memref<32x100000xf32, #tpu.memory_space<hbm>>
      %dma_wait3A_170 = arith.constant 0 : i32
      %dma_wait3A_171 = tpu.memref_slice %dma_wait3A_169[%add3A, %dma_wait3A_170] : memref<32x100000xf32, #tpu.memory_space<hbm>> -> memref<1x100000xf32, #tpu.memory_space<hbm>>
      %dma_wait3A_172 = tpu.memref_squeeze %dma_wait3A_171 : memref<1x100000xf32, #tpu.memory_space<hbm>> -> memref<100000xf32, #tpu.memory_space<hbm>>
      %dma_wait3A_173 = arith.constant 50048 : i32
      %dma_wait3A_174 = tpu.memref_slice %dma_wait3A_172[%dma_wait3A_173] : memref<100000xf32, #tpu.memory_space<hbm>> -> memref<49920xf32, #tpu.memory_space<hbm>>
      tpu.wait_dma2 semaphore(%arg13 : memref<!tpu.dma_semaphore, #tpu.memory_space<semaphore_mem>>) src(%dma_wait3A_174 : memref<49920xf32, #tpu.memory_space<hbm>>) dst(%dma_wait3A_165 : memref<49920xf32, #tpu.memory_space<vmem>>)
      %dma_wait3A_175 = arith.constant 49920 : i32
      %dma_wait3A_176 = tpu.memref_slice %arg7[%dma_wait3A_175] : memref<50048xf32, #tpu.memory_space<vmem>> -> memref<128xf32, #tpu.memory_space<vmem>>
      %dma_wait3A_177 = arith.constant 0 : i32
      %dma_wait3A_178 = arith.constant 0 : i32
      %dma_wait3A_179 = tpu.memref_slice %arg3[%mul3A_99, %dma_wait3A_177, %dma_wait3A_178] : memref<26x32x128xf32, #tpu.memory_space<hbm>> -> memref<1x32x128xf32, #tpu.memory_space<hbm>>
      %dma_wait3A_180 = tpu.memref_squeeze %dma_wait3A_179 : memref<1x32x128xf32, #tpu.memory_space<hbm>> -> memref<32x128xf32, #tpu.memory_space<hbm>>
      %dma_wait3A_181 = arith.constant 0 : i32
      %dma_wait3A_182 = tpu.memref_slice %dma_wait3A_180[%add3A, %dma_wait3A_181] : memref<32x128xf32, #tpu.memory_space<hbm>> -> memref<1x128xf32, #tpu.memory_space<hbm>>
      %dma_wait3A_183 = tpu.memref_squeeze %dma_wait3A_182 : memref<1x128xf32, #tpu.memory_space<hbm>> -> memref<128xf32, #tpu.memory_space<hbm>>
      %dma_wait3A_184 = arith.constant 49920 : i32
      %dma_wait3A_185 = tpu.memref_slice %arg7[%dma_wait3A_184] : memref<50048xf32, #tpu.memory_space<vmem>> -> memref<128xf32, #tpu.memory_space<vmem>>
      %dma_wait3A_186 = arith.constant 0 : i32
      %dma_wait3A_187 = arith.constant 0 : i32
      %dma_wait3A_188 = tpu.memref_slice %arg3[%mul3A_99, %dma_wait3A_186, %dma_wait3A_187] : memref<26x32x128xf32, #tpu.memory_space<hbm>> -> memref<1x32x128xf32, #tpu.memory_space<hbm>>
      %dma_wait3A_189 = tpu.memref_squeeze %dma_wait3A_188 : memref<1x32x128xf32, #tpu.memory_space<hbm>> -> memref<32x128xf32, #tpu.memory_space<hbm>>
      %dma_wait3A_190 = arith.constant 0 : i32
      %dma_wait3A_191 = tpu.memref_slice %dma_wait3A_189[%add3A, %dma_wait3A_190] : memref<32x128xf32, #tpu.memory_space<hbm>> -> memref<1x128xf32, #tpu.memory_space<hbm>>
      %dma_wait3A_192 = tpu.memref_squeeze %dma_wait3A_191 : memref<1x128xf32, #tpu.memory_space<hbm>> -> memref<128xf32, #tpu.memory_space<hbm>>
      tpu.wait_dma2 semaphore(%arg13 : memref<!tpu.dma_semaphore, #tpu.memory_space<semaphore_mem>>) src(%dma_wait3A_192 : memref<128xf32, #tpu.memory_space<hbm>>) dst(%dma_wait3A_185 : memref<128xf32, #tpu.memory_space<vmem>>)
      %scan3A_193 = arith.constant 0 : i32
      %scan3A_194 = arith.constant 0 : i32
      %scan3A_195 = arith.constant 256 : i32
      %scan3A_196 = arith.addi %scan3A_194, %scan3A_195 : i32
      %scan3A_197 = arith.constant 8 : i32
      %scan3A_198 = scf.for %scan3A_361 = %scan3A_194 to %scan3A_196 step %scan3A_197 iter_args(%scan3A_362 = %scan3A_193) -> (i32)  : i32 {
        %mul3A_363 = arith.constant 16 : i32
        %mul3A_364 = arith.muli %scan3A_361, %mul3A_363 : i32
        %get3A = arith.index_cast %mul3A_364 : i32 to index
        %get3A_365 = tpu.vector_load %arg8[%get3A] {strides = array<i32>} : memref<4096xi32, #tpu.memory_space<vmem>>, vector<16xi32>,
        %sub3A = arith.constant 50048 : i32
        %sub3A_366 = vector.broadcast %sub3A : i32 to vector<16xi32>
        %sub3A_367 = arith.subi %get3A_365, %sub3A_366 : vector<16xi32>
        %ge3A = arith.constant 0 : i32
        %ge3A_368 = vector.broadcast %ge3A : i32 to vector<16xi32>
        %ge3A_369 = arith.cmpi sge, %sub3A_367, %ge3A_368 : vector<16xi32>
        %max3A = arith.constant 0 : i32
        %max3A_370 = vector.broadcast %max3A : i32 to vector<16xi32>
        %max3A_371 = arith.maxsi %sub3A_367, %max3A_370 : vector<16xi32>
        %gather3A = tpu.vector_load_idx %arg7[%max3A_371] : memref<50048xf32, #tpu.memory_space<vmem>>[vector<16xi32>], vector<16xf32>,
        %mul3A_372 = arith.constant 16 : i32
        %mul3A_373 = arith.muli %scan3A_361, %mul3A_372 : i32
        %get3A_374 = arith.index_cast %mul3A_373 : i32 to index
        %get3A_375 = tpu.vector_load %arg10[%get3A_374] {strides = array<i32>} : memref<4096xf32, #tpu.memory_space<vmem>>, vector<16xf32>,
        %select_n3A = arith.select %ge3A_369, %gather3A, %get3A_375 : vector<16xi1>, vector<16xf32>
        %mul3A_376 = arith.constant 16 : i32
        %mul3A_377 = arith.muli %scan3A_361, %mul3A_376 : i32
        %swap3A = arith.index_cast %mul3A_377 : i32 to index
        %swap3A_378 = tpu.vector_load %arg10[%swap3A] {strides = array<i32>} : memref<4096xf32, #tpu.memory_space<vmem>>, vector<16xf32>,
        tpu.vector_store %arg10[%swap3A], %select_n3A {strides = array<i32>} : memref<4096xf32, #tpu.memory_space<vmem>>, vector<16xf32>,
        %scan3A_379 = arith.constant 0 : i32
        %scan3A_380 = arith.constant 1 : i32
        %scan3A_381 = arith.addi %scan3A_361, %scan3A_380 : i32
        %mul3A_382 = arith.constant 16 : i32
        %mul3A_383 = arith.muli %scan3A_381, %mul3A_382 : i32
        %get3A_384 = arith.index_cast %mul3A_383 : i32 to index
        %get3A_385 = tpu.vector_load %arg8[%get3A_384] {strides = array<i32>} : memref<4096xi32, #tpu.memory_space<vmem>>, vector<16xi32>,
        %sub3A_386 = arith.constant 50048 : i32
        %sub3A_387 = vector.broadcast %sub3A_386 : i32 to vector<16xi32>
        %sub3A_388 = arith.subi %get3A_385, %sub3A_387 : vector<16xi32>
        %ge3A_389 = arith.constant 0 : i32
        %ge3A_390 = vector.broadcast %ge3A_389 : i32 to vector<16xi32>
        %ge3A_391 = arith.cmpi sge, %sub3A_388, %ge3A_390 : vector<16xi32>
        %max3A_392 = arith.constant 0 : i32
        %max3A_393 = vector.broadcast %max3A_392 : i32 to vector<16xi32>
        %max3A_394 = arith.maxsi %sub3A_388, %max3A_393 : vector<16xi32>
        %gather3A_395 = tpu.vector_load_idx %arg7[%max3A_394] : memref<50048xf32, #tpu.memory_space<vmem>>[vector<16xi32>], vector<16xf32>,
        %mul3A_396 = arith.constant 16 : i32
        %mul3A_397 = arith.muli %scan3A_381, %mul3A_396 : i32
        %get3A_398 = arith.index_cast %mul3A_397 : i32 to index
        %get3A_399 = tpu.vector_load %arg10[%get3A_398] {strides = array<i32>} : memref<4096xf32, #tpu.memory_space<vmem>>, vector<16xf32>,
        %select_n3A_400 = arith.select %ge3A_391, %gather3A_395, %get3A_399 : vector<16xi1>, vector<16xf32>
        %mul3A_401 = arith.constant 16 : i32
        %mul3A_402 = arith.muli %scan3A_381, %mul3A_401 : i32
        %swap3A_403 = arith.index_cast %mul3A_402 : i32 to index
        %swap3A_404 = tpu.vector_load %arg10[%swap3A_403] {strides = array<i32>} : memref<4096xf32, #tpu.memory_space<vmem>>, vector<16xf32>,
        tpu.vector_store %arg10[%swap3A_403], %select_n3A_400 {strides = array<i32>} : memref<4096xf32, #tpu.memory_space<vmem>>, vector<16xf32>,
        %scan3A_405 = arith.constant 0 : i32
        %scan3A_406 = arith.constant 2 : i32
        %scan3A_407 = arith.addi %scan3A_361, %scan3A_406 : i32
        %mul3A_408 = arith.constant 16 : i32
        %mul3A_409 = arith.muli %scan3A_407, %mul3A_408 : i32
        %get3A_410 = arith.index_cast %mul3A_409 : i32 to index
        %get3A_411 = tpu.vector_load %arg8[%get3A_410] {strides = array<i32>} : memref<4096xi32, #tpu.memory_space<vmem>>, vector<16xi32>,
        %sub3A_412 = arith.constant 50048 : i32
        %sub3A_413 = vector.broadcast %sub3A_412 : i32 to vector<16xi32>
        %sub3A_414 = arith.subi %get3A_411, %sub3A_413 : vector<16xi32>
        %ge3A_415 = arith.constant 0 : i32
        %ge3A_416 = vector.broadcast %ge3A_415 : i32 to vector<16xi32>
        %ge3A_417 = arith.cmpi sge, %sub3A_414, %ge3A_416 : vector<16xi32>
        %max3A_418 = arith.constant 0 : i32
        %max3A_419 = vector.broadcast %max3A_418 : i32 to vector<16xi32>
        %max3A_420 = arith.maxsi %sub3A_414, %max3A_419 : vector<16xi32>
        %gather3A_421 = tpu.vector_load_idx %arg7[%max3A_420] : memref<50048xf32, #tpu.memory_space<vmem>>[vector<16xi32>], vector<16xf32>,
        %mul3A_422 = arith.constant 16 : i32
        %mul3A_423 = arith.muli %scan3A_407, %mul3A_422 : i32
        %get3A_424 = arith.index_cast %mul3A_423 : i32 to index
        %get3A_425 = tpu.vector_load %arg10[%get3A_424] {strides = array<i32>} : memref<4096xf32, #tpu.memory_space<vmem>>, vector<16xf32>,
        %select_n3A_426 = arith.select %ge3A_417, %gather3A_421, %get3A_425 : vector<16xi1>, vector<16xf32>
        %mul3A_427 = arith.constant 16 : i32
        %mul3A_428 = arith.muli %scan3A_407, %mul3A_427 : i32
        %swap3A_429 = arith.index_cast %mul3A_428 : i32 to index
        %swap3A_430 = tpu.vector_load %arg10[%swap3A_429] {strides = array<i32>} : memref<4096xf32, #tpu.memory_space<vmem>>, vector<16xf32>,
        tpu.vector_store %arg10[%swap3A_429], %select_n3A_426 {strides = array<i32>} : memref<4096xf32, #tpu.memory_space<vmem>>, vector<16xf32>,
        %scan3A_431 = arith.constant 0 : i32
        %scan3A_432 = arith.constant 3 : i32
        %scan3A_433 = arith.addi %scan3A_361, %scan3A_432 : i32
        %mul3A_434 = arith.constant 16 : i32
        %mul3A_435 = arith.muli %scan3A_433, %mul3A_434 : i32
        %get3A_436 = arith.index_cast %mul3A_435 : i32 to index
        %get3A_437 = tpu.vector_load %arg8[%get3A_436] {strides = array<i32>} : memref<4096xi32, #tpu.memory_space<vmem>>, vector<16xi32>,
        %sub3A_438 = arith.constant 50048 : i32
        %sub3A_439 = vector.broadcast %sub3A_438 : i32 to vector<16xi32>
        %sub3A_440 = arith.subi %get3A_437, %sub3A_439 : vector<16xi32>
        %ge3A_441 = arith.constant 0 : i32
        %ge3A_442 = vector.broadcast %ge3A_441 : i32 to vector<16xi32>
        %ge3A_443 = arith.cmpi sge, %sub3A_440, %ge3A_442 : vector<16xi32>
        %max3A_444 = arith.constant 0 : i32
        %max3A_445 = vector.broadcast %max3A_444 : i32 to vector<16xi32>
        %max3A_446 = arith.maxsi %sub3A_440, %max3A_445 : vector<16xi32>
        %gather3A_447 = tpu.vector_load_idx %arg7[%max3A_446] : memref<50048xf32, #tpu.memory_space<vmem>>[vector<16xi32>], vector<16xf32>,
        %mul3A_448 = arith.constant 16 : i32
        %mul3A_449 = arith.muli %scan3A_433, %mul3A_448 : i32
        %get3A_450 = arith.index_cast %mul3A_449 : i32 to index
        %get3A_451 = tpu.vector_load %arg10[%get3A_450] {strides = array<i32>} : memref<4096xf32, #tpu.memory_space<vmem>>, vector<16xf32>,
        %select_n3A_452 = arith.select %ge3A_443, %gather3A_447, %get3A_451 : vector<16xi1>, vector<16xf32>
        %mul3A_453 = arith.constant 16 : i32
        %mul3A_454 = arith.muli %scan3A_433, %mul3A_453 : i32
        %swap3A_455 = arith.index_cast %mul3A_454 : i32 to index
        %swap3A_456 = tpu.vector_load %arg10[%swap3A_455] {strides = array<i32>} : memref<4096xf32, #tpu.memory_space<vmem>>, vector<16xf32>,
        tpu.vector_store %arg10[%swap3A_455], %select_n3A_452 {strides = array<i32>} : memref<4096xf32, #tpu.memory_space<vmem>>, vector<16xf32>,
        %scan3A_457 = arith.constant 0 : i32
        %scan3A_458 = arith.constant 4 : i32
        %scan3A_459 = arith.addi %scan3A_361, %scan3A_458 : i32
        %mul3A_460 = arith.constant 16 : i32
        %mul3A_461 = arith.muli %scan3A_459, %mul3A_460 : i32
        %get3A_462 = arith.index_cast %mul3A_461 : i32 to index
        %get3A_463 = tpu.vector_load %arg8[%get3A_462] {strides = array<i32>} : memref<4096xi32, #tpu.memory_space<vmem>>, vector<16xi32>,
        %sub3A_464 = arith.constant 50048 : i32
        %sub3A_465 = vector.broadcast %sub3A_464 : i32 to vector<16xi32>
        %sub3A_466 = arith.subi %get3A_463, %sub3A_465 : vector<16xi32>
        %ge3A_467 = arith.constant 0 : i32
        %ge3A_468 = vector.broadcast %ge3A_467 : i32 to vector<16xi32>
        %ge3A_469 = arith.cmpi sge, %sub3A_466, %ge3A_468 : vector<16xi32>
        %max3A_470 = arith.constant 0 : i32
        %max3A_471 = vector.broadcast %max3A_470 : i32 to vector<16xi32>
        %max3A_472 = arith.maxsi %sub3A_466, %max3A_471 : vector<16xi32>
        %gather3A_473 = tpu.vector_load_idx %arg7[%max3A_472] : memref<50048xf32, #tpu.memory_space<vmem>>[vector<16xi32>], vector<16xf32>,
        %mul3A_474 = arith.constant 16 : i32
        %mul3A_475 = arith.muli %scan3A_459, %mul3A_474 : i32
        %get3A_476 = arith.index_cast %mul3A_475 : i32 to index
        %get3A_477 = tpu.vector_load %arg10[%get3A_476] {strides = array<i32>} : memref<4096xf32, #tpu.memory_space<vmem>>, vector<16xf32>,
        %select_n3A_478 = arith.select %ge3A_469, %gather3A_473, %get3A_477 : vector<16xi1>, vector<16xf32>
        %mul3A_479 = arith.constant 16 : i32
        %mul3A_480 = arith.muli %scan3A_459, %mul3A_479 : i32
        %swap3A_481 = arith.index_cast %mul3A_480 : i32 to index
        %swap3A_482 = tpu.vector_load %arg10[%swap3A_481] {strides = array<i32>} : memref<4096xf32, #tpu.memory_space<vmem>>, vector<16xf32>,
        tpu.vector_store %arg10[%swap3A_481], %select_n3A_478 {strides = array<i32>} : memref<4096xf32, #tpu.memory_space<vmem>>, vector<16xf32>,
        %scan3A_483 = arith.constant 0 : i32
        %scan3A_484 = arith.constant 5 : i32
        %scan3A_485 = arith.addi %scan3A_361, %scan3A_484 : i32
        %mul3A_486 = arith.constant 16 : i32
        %mul3A_487 = arith.muli %scan3A_485, %mul3A_486 : i32
        %get3A_488 = arith.index_cast %mul3A_487 : i32 to index
        %get3A_489 = tpu.vector_load %arg8[%get3A_488] {strides = array<i32>} : memref<4096xi32, #tpu.memory_space<vmem>>, vector<16xi32>,
        %sub3A_490 = arith.constant 50048 : i32
        %sub3A_491 = vector.broadcast %sub3A_490 : i32 to vector<16xi32>
        %sub3A_492 = arith.subi %get3A_489, %sub3A_491 : vector<16xi32>
        %ge3A_493 = arith.constant 0 : i32
        %ge3A_494 = vector.broadcast %ge3A_493 : i32 to vector<16xi32>
        %ge3A_495 = arith.cmpi sge, %sub3A_492, %ge3A_494 : vector<16xi32>
        %max3A_496 = arith.constant 0 : i32
        %max3A_497 = vector.broadcast %max3A_496 : i32 to vector<16xi32>
        %max3A_498 = arith.maxsi %sub3A_492, %max3A_497 : vector<16xi32>
        %gather3A_499 = tpu.vector_load_idx %arg7[%max3A_498] : memref<50048xf32, #tpu.memory_space<vmem>>[vector<16xi32>], vector<16xf32>,
        %mul3A_500 = arith.constant 16 : i32
        %mul3A_501 = arith.muli %scan3A_485, %mul3A_500 : i32
        %get3A_502 = arith.index_cast %mul3A_501 : i32 to index
        %get3A_503 = tpu.vector_load %arg10[%get3A_502] {strides = array<i32>} : memref<4096xf32, #tpu.memory_space<vmem>>, vector<16xf32>,
        %select_n3A_504 = arith.select %ge3A_495, %gather3A_499, %get3A_503 : vector<16xi1>, vector<16xf32>
        %mul3A_505 = arith.constant 16 : i32
        %mul3A_506 = arith.muli %scan3A_485, %mul3A_505 : i32
        %swap3A_507 = arith.index_cast %mul3A_506 : i32 to index
        %swap3A_508 = tpu.vector_load %arg10[%swap3A_507] {strides = array<i32>} : memref<4096xf32, #tpu.memory_space<vmem>>, vector<16xf32>,
        tpu.vector_store %arg10[%swap3A_507], %select_n3A_504 {strides = array<i32>} : memref<4096xf32, #tpu.memory_space<vmem>>, vector<16xf32>,
        %scan3A_509 = arith.constant 0 : i32
        %scan3A_510 = arith.constant 6 : i32
        %scan3A_511 = arith.addi %scan3A_361, %scan3A_510 : i32
        %mul3A_512 = arith.constant 16 : i32
        %mul3A_513 = arith.muli %scan3A_511, %mul3A_512 : i32
        %get3A_514 = arith.index_cast %mul3A_513 : i32 to index
        %get3A_515 = tpu.vector_load %arg8[%get3A_514] {strides = array<i32>} : memref<4096xi32, #tpu.memory_space<vmem>>, vector<16xi32>,
        %sub3A_516 = arith.constant 50048 : i32
        %sub3A_517 = vector.broadcast %sub3A_516 : i32 to vector<16xi32>
        %sub3A_518 = arith.subi %get3A_515, %sub3A_517 : vector<16xi32>
        %ge3A_519 = arith.constant 0 : i32
        %ge3A_520 = vector.broadcast %ge3A_519 : i32 to vector<16xi32>
        %ge3A_521 = arith.cmpi sge, %sub3A_518, %ge3A_520 : vector<16xi32>
        %max3A_522 = arith.constant 0 : i32
        %max3A_523 = vector.broadcast %max3A_522 : i32 to vector<16xi32>
        %max3A_524 = arith.maxsi %sub3A_518, %max3A_523 : vector<16xi32>
        %gather3A_525 = tpu.vector_load_idx %arg7[%max3A_524] : memref<50048xf32, #tpu.memory_space<vmem>>[vector<16xi32>], vector<16xf32>,
        %mul3A_526 = arith.constant 16 : i32
        %mul3A_527 = arith.muli %scan3A_511, %mul3A_526 : i32
        %get3A_528 = arith.index_cast %mul3A_527 : i32 to index
        %get3A_529 = tpu.vector_load %arg10[%get3A_528] {strides = array<i32>} : memref<4096xf32, #tpu.memory_space<vmem>>, vector<16xf32>,
        %select_n3A_530 = arith.select %ge3A_521, %gather3A_525, %get3A_529 : vector<16xi1>, vector<16xf32>
        %mul3A_531 = arith.constant 16 : i32
        %mul3A_532 = arith.muli %scan3A_511, %mul3A_531 : i32
        %swap3A_533 = arith.index_cast %mul3A_532 : i32 to index
        %swap3A_534 = tpu.vector_load %arg10[%swap3A_533] {strides = array<i32>} : memref<4096xf32, #tpu.memory_space<vmem>>, vector<16xf32>,
        tpu.vector_store %arg10[%swap3A_533], %select_n3A_530 {strides = array<i32>} : memref<4096xf32, #tpu.memory_space<vmem>>, vector<16xf32>,
        %scan3A_535 = arith.constant 0 : i32
        %scan3A_536 = arith.constant 7 : i32
        %scan3A_537 = arith.addi %scan3A_361, %scan3A_536 : i32
        %mul3A_538 = arith.constant 16 : i32
        %mul3A_539 = arith.muli %scan3A_537, %mul3A_538 : i32
        %get3A_540 = arith.index_cast %mul3A_539 : i32 to index
        %get3A_541 = tpu.vector_load %arg8[%get3A_540] {strides = array<i32>} : memref<4096xi32, #tpu.memory_space<vmem>>, vector<16xi32>,
        %sub3A_542 = arith.constant 50048 : i32
        %sub3A_543 = vector.broadcast %sub3A_542 : i32 to vector<16xi32>
        %sub3A_544 = arith.subi %get3A_541, %sub3A_543 : vector<16xi32>
        %ge3A_545 = arith.constant 0 : i32
        %ge3A_546 = vector.broadcast %ge3A_545 : i32 to vector<16xi32>
        %ge3A_547 = arith.cmpi sge, %sub3A_544, %ge3A_546 : vector<16xi32>
        %max3A_548 = arith.constant 0 : i32
        %max3A_549 = vector.broadcast %max3A_548 : i32 to vector<16xi32>
        %max3A_550 = arith.maxsi %sub3A_544, %max3A_549 : vector<16xi32>
        %gather3A_551 = tpu.vector_load_idx %arg7[%max3A_550] : memref<50048xf32, #tpu.memory_space<vmem>>[vector<16xi32>], vector<16xf32>,
        %mul3A_552 = arith.constant 16 : i32
        %mul3A_553 = arith.muli %scan3A_537, %mul3A_552 : i32
        %get3A_554 = arith.index_cast %mul3A_553 : i32 to index
        %get3A_555 = tpu.vector_load %arg10[%get3A_554] {strides = array<i32>} : memref<4096xf32, #tpu.memory_space<vmem>>, vector<16xf32>,
        %select_n3A_556 = arith.select %ge3A_547, %gather3A_551, %get3A_555 : vector<16xi1>, vector<16xf32>
        %mul3A_557 = arith.constant 16 : i32
        %mul3A_558 = arith.muli %scan3A_537, %mul3A_557 : i32
        %swap3A_559 = arith.index_cast %mul3A_558 : i32 to index
        %swap3A_560 = tpu.vector_load %arg10[%swap3A_559] {strides = array<i32>} : memref<4096xf32, #tpu.memory_space<vmem>>, vector<16xf32>,
        tpu.vector_store %arg10[%swap3A_559], %select_n3A_556 {strides = array<i32>} : memref<4096xf32, #tpu.memory_space<vmem>>, vector<16xf32>,
        %scan3A_561 = arith.constant 0 : i32
        scf.yield %scan3A_561 : i32
      }
      %scan3A_199 = arith.constant 256 : i32
      %dma_start3A_200 = arith.constant 0 : i32
      %dma_start3A_201 = tpu.memref_slice %arg7[%dma_start3A_200] : memref<50048xf32, #tpu.memory_space<vmem>> -> memref<49920xf32, #tpu.memory_space<vmem>>
      %dma_start3A_202 = arith.constant 0 : i32
      %dma_start3A_203 = arith.constant 0 : i32
      %dma_start3A_204 = tpu.memref_slice %arg2[%add3A_101, %dma_start3A_202, %dma_start3A_203] : memref<26x32x100000xf32, #tpu.memory_space<hbm>> -> memref<1x32x100000xf32, #tpu.memory_space<hbm>>
      %dma_start3A_205 = tpu.memref_squeeze %dma_start3A_204 : memref<1x32x100000xf32, #tpu.memory_space<hbm>> -> memref<32x100000xf32, #tpu.memory_space<hbm>>
      %dma_start3A_206 = arith.constant 0 : i32
      %dma_start3A_207 = tpu.memref_slice %dma_start3A_205[%add3A, %dma_start3A_206] : memref<32x100000xf32, #tpu.memory_space<hbm>> -> memref<1x100000xf32, #tpu.memory_space<hbm>>
      %dma_start3A_208 = tpu.memref_squeeze %dma_start3A_207 : memref<1x100000xf32, #tpu.memory_space<hbm>> -> memref<100000xf32, #tpu.memory_space<hbm>>
      %dma_start3A_209 = arith.constant 50048 : i32
      %dma_start3A_210 = tpu.memref_slice %dma_start3A_208[%dma_start3A_209] : memref<100000xf32, #tpu.memory_space<hbm>> -> memref<49920xf32, #tpu.memory_space<hbm>>
      %dma_start3A_211 = arith.constant 0 : i32
      %dma_start3A_212 = tpu.memref_slice %arg7[%dma_start3A_211] : memref<50048xf32, #tpu.memory_space<vmem>> -> memref<49920xf32, #tpu.memory_space<vmem>>
      %dma_start3A_213 = arith.constant 0 : i32
      %dma_start3A_214 = arith.constant 0 : i32
      %dma_start3A_215 = tpu.memref_slice %arg2[%add3A_101, %dma_start3A_213, %dma_start3A_214] : memref<26x32x100000xf32, #tpu.memory_space<hbm>> -> memref<1x32x100000xf32, #tpu.memory_space<hbm>>
      %dma_start3A_216 = tpu.memref_squeeze %dma_start3A_215 : memref<1x32x100000xf32, #tpu.memory_space<hbm>> -> memref<32x100000xf32, #tpu.memory_space<hbm>>
      %dma_start3A_217 = arith.constant 0 : i32
      %dma_start3A_218 = tpu.memref_slice %dma_start3A_216[%add3A, %dma_start3A_217] : memref<32x100000xf32, #tpu.memory_space<hbm>> -> memref<1x100000xf32, #tpu.memory_space<hbm>>
      %dma_start3A_219 = tpu.memref_squeeze %dma_start3A_218 : memref<1x100000xf32, #tpu.memory_space<hbm>> -> memref<100000xf32, #tpu.memory_space<hbm>>
      %dma_start3A_220 = arith.constant 50048 : i32
      %dma_start3A_221 = tpu.memref_slice %dma_start3A_219[%dma_start3A_220] : memref<100000xf32, #tpu.memory_space<hbm>> -> memref<49920xf32, #tpu.memory_space<hbm>>
      tpu.enqueue_dma source(%dma_start3A_221 : memref<49920xf32, #tpu.memory_space<hbm>>) target(%dma_start3A_212 : memref<49920xf32, #tpu.memory_space<vmem>>) target_semaphore(%arg13 : memref<!tpu.dma_semaphore, #tpu.memory_space<semaphore_mem>>)
      %dma_start3A_222 = arith.constant 49920 : i32
      %dma_start3A_223 = tpu.memref_slice %arg7[%dma_start3A_222] : memref<50048xf32, #tpu.memory_space<vmem>> -> memref<128xf32, #tpu.memory_space<vmem>>
      %dma_start3A_224 = arith.constant 0 : i32
      %dma_start3A_225 = arith.constant 0 : i32
      %dma_start3A_226 = tpu.memref_slice %arg3[%add3A_101, %dma_start3A_224, %dma_start3A_225] : memref<26x32x128xf32, #tpu.memory_space<hbm>> -> memref<1x32x128xf32, #tpu.memory_space<hbm>>
      %dma_start3A_227 = tpu.memref_squeeze %dma_start3A_226 : memref<1x32x128xf32, #tpu.memory_space<hbm>> -> memref<32x128xf32, #tpu.memory_space<hbm>>
      %dma_start3A_228 = arith.constant 0 : i32
      %dma_start3A_229 = tpu.memref_slice %dma_start3A_227[%add3A, %dma_start3A_228] : memref<32x128xf32, #tpu.memory_space<hbm>> -> memref<1x128xf32, #tpu.memory_space<hbm>>
      %dma_start3A_230 = tpu.memref_squeeze %dma_start3A_229 : memref<1x128xf32, #tpu.memory_space<hbm>> -> memref<128xf32, #tpu.memory_space<hbm>>
      %dma_start3A_231 = arith.constant 49920 : i32
      %dma_start3A_232 = tpu.memref_slice %arg7[%dma_start3A_231] : memref<50048xf32, #tpu.memory_space<vmem>> -> memref<128xf32, #tpu.memory_space<vmem>>
      %dma_start3A_233 = arith.constant 0 : i32
      %dma_start3A_234 = arith.constant 0 : i32
      %dma_start3A_235 = tpu.memref_slice %arg3[%add3A_101, %dma_start3A_233, %dma_start3A_234] : memref<26x32x128xf32, #tpu.memory_space<hbm>> -> memref<1x32x128xf32, #tpu.memory_space<hbm>>
      %dma_start3A_236 = tpu.memref_squeeze %dma_start3A_235 : memref<1x32x128xf32, #tpu.memory_space<hbm>> -> memref<32x128xf32, #tpu.memory_space<hbm>>
      %dma_start3A_237 = arith.constant 0 : i32
      %dma_start3A_238 = tpu.memref_slice %dma_start3A_236[%add3A, %dma_start3A_237] : memref<32x128xf32, #tpu.memory_space<hbm>> -> memref<1x128xf32, #tpu.memory_space<hbm>>
      %dma_start3A_239 = tpu.memref_squeeze %dma_start3A_238 : memref<1x128xf32, #tpu.memory_space<hbm>> -> memref<128xf32, #tpu.memory_space<hbm>>
      tpu.enqueue_dma source(%dma_start3A_239 : memref<128xf32, #tpu.memory_space<hbm>>) target(%dma_start3A_232 : memref<128xf32, #tpu.memory_space<vmem>>) target_semaphore(%arg13 : memref<!tpu.dma_semaphore, #tpu.memory_space<semaphore_mem>>)
      %mul3A_240 = arith.constant 32 : i32
      %mul3A_241 = arith.muli %mul3A_99, %mul3A_240 : i32
      %add3A_242 = arith.addi %mul3A_241, %add3A : i32
      %dma_start3A_243 = arith.constant 0 : i32
      %dma_start3A_244 = tpu.memref_slice %arg5[%add3A_242, %dma_start3A_243] : memref<832x4096xf32, #tpu.memory_space<hbm>> -> memref<1x4096xf32, #tpu.memory_space<hbm>>
      %dma_start3A_245 = tpu.memref_squeeze %dma_start3A_244 : memref<1x4096xf32, #tpu.memory_space<hbm>> -> memref<4096xf32, #tpu.memory_space<hbm>>
      %dma_start3A_246 = arith.constant 0 : i32
      %dma_start3A_247 = tpu.memref_slice %arg5[%add3A_242, %dma_start3A_246] : memref<832x4096xf32, #tpu.memory_space<hbm>> -> memref<1x4096xf32, #tpu.memory_space<hbm>>
      %dma_start3A_248 = tpu.memref_squeeze %dma_start3A_247 : memref<1x4096xf32, #tpu.memory_space<hbm>> -> memref<4096xf32, #tpu.memory_space<hbm>>
      tpu.enqueue_dma source(%arg10 : memref<4096xf32, #tpu.memory_space<vmem>>) target(%dma_start3A_248 : memref<4096xf32, #tpu.memory_space<hbm>>) target_semaphore(%arg16 : memref<!tpu.dma_semaphore, #tpu.memory_space<semaphore_mem>>)
      %lt3A = arith.constant 12 : i32
      %lt3A_249 = arith.cmpi slt, %scan3A_96, %lt3A : i32
      %convert_element_type3A_250 = arith.extui %lt3A_249 : i1 to i32
      %cond3A_251 = arith.constant 0 : i32
      %cond3A_252 = arith.cmpi ne, %convert_element_type3A_250, %cond3A_251 : i32
      scf.if %cond3A_252 {
        %add3A_361 = arith.constant 2 : i32
        %add3A_362 = arith.addi %mul3A_99, %add3A_361 : i32
        %dma_start3A_363 = arith.constant 0 : i32
        %dma_start3A_364 = tpu.memref_slice %arg4[%add3A_362, %dma_start3A_363] : memref<26x4096xi32, #tpu.memory_space<hbm>> -> memref<1x4096xi32, #tpu.memory_space<hbm>>
        %dma_start3A_365 = tpu.memref_squeeze %dma_start3A_364 : memref<1x4096xi32, #tpu.memory_space<hbm>> -> memref<4096xi32, #tpu.memory_space<hbm>>
        %dma_start3A_366 = arith.constant 0 : i32
        %dma_start3A_367 = tpu.memref_slice %arg4[%add3A_362, %dma_start3A_366] : memref<26x4096xi32, #tpu.memory_space<hbm>> -> memref<1x4096xi32, #tpu.memory_space<hbm>>
        %dma_start3A_368 = tpu.memref_squeeze %dma_start3A_367 : memref<1x4096xi32, #tpu.memory_space<hbm>> -> memref<4096xi32, #tpu.memory_space<hbm>>
        tpu.enqueue_dma source(%dma_start3A_368 : memref<4096xi32, #tpu.memory_space<hbm>>) target(%arg8 : memref<4096xi32, #tpu.memory_space<vmem>>) target_semaphore(%arg14 : memref<!tpu.dma_semaphore, #tpu.memory_space<semaphore_mem>>)
      } else {
      }
      %dma_wait3A_253 = arith.constant 0 : i32
      %dma_wait3A_254 = tpu.memref_slice %arg4[%add3A_101, %dma_wait3A_253] : memref<26x4096xi32, #tpu.memory_space<hbm>> -> memref<1x4096xi32, #tpu.memory_space<hbm>>
      %dma_wait3A_255 = tpu.memref_squeeze %dma_wait3A_254 : memref<1x4096xi32, #tpu.memory_space<hbm>> -> memref<4096xi32, #tpu.memory_space<hbm>>
      %dma_wait3A_256 = arith.constant 0 : i32
      %dma_wait3A_257 = tpu.memref_slice %arg4[%add3A_101, %dma_wait3A_256] : memref<26x4096xi32, #tpu.memory_space<hbm>> -> memref<1x4096xi32, #tpu.memory_space<hbm>>
      %dma_wait3A_258 = tpu.memref_squeeze %dma_wait3A_257 : memref<1x4096xi32, #tpu.memory_space<hbm>> -> memref<4096xi32, #tpu.memory_space<hbm>>
      tpu.wait_dma2 semaphore(%arg15 : memref<!tpu.dma_semaphore, #tpu.memory_space<semaphore_mem>>) src(%dma_wait3A_258 : memref<4096xi32, #tpu.memory_space<hbm>>) dst(%arg9 : memref<4096xi32, #tpu.memory_space<vmem>>)
      %gt3A_259 = arith.constant 0 : i32
      %gt3A_260 = arith.cmpi sgt, %scan3A_96, %gt3A_259 : i32
      %convert_element_type3A_261 = arith.extui %gt3A_260 : i1 to i32
      %cond3A_262 = arith.constant 0 : i32
      %cond3A_263 = arith.cmpi ne, %convert_element_type3A_261, %cond3A_262 : i32
      scf.if %cond3A_263 {
        %sub3A = arith.constant 2 : i32
        %sub3A_361 = arith.subi %add3A_101, %sub3A : i32
        %mul3A_362 = arith.constant 32 : i32
        %mul3A_363 = arith.muli %sub3A_361, %mul3A_362 : i32
        %add3A_364 = arith.addi %mul3A_363, %add3A : i32
        %dma_wait3A_365 = arith.constant 0 : i32
        %dma_wait3A_366 = tpu.memref_slice %arg5[%add3A_364, %dma_wait3A_365] : memref<832x4096xf32, #tpu.memory_space<hbm>> -> memref<1x4096xf32, #tpu.memory_space<hbm>>
        %dma_wait3A_367 = tpu.memref_squeeze %dma_wait3A_366 : memref<1x4096xf32, #tpu.memory_space<hbm>> -> memref<4096xf32, #tpu.memory_space<hbm>>
        %dma_wait3A_368 = arith.constant 0 : i32
        %dma_wait3A_369 = tpu.memref_slice %arg5[%add3A_364, %dma_wait3A_368] : memref<832x4096xf32, #tpu.memory_space<hbm>> -> memref<1x4096xf32, #tpu.memory_space<hbm>>
        %dma_wait3A_370 = tpu.memref_squeeze %dma_wait3A_369 : memref<1x4096xf32, #tpu.memory_space<hbm>> -> memref<4096xf32, #tpu.memory_space<hbm>>
        tpu.wait_dma2 semaphore(%arg17 : memref<!tpu.dma_semaphore, #tpu.memory_space<semaphore_mem>>) src(%arg11 : memref<4096xf32, #tpu.memory_space<vmem>>) dst(%dma_wait3A_370 : memref<4096xf32, #tpu.memory_space<hbm>>)
      } else {
      }
      %dma_wait3A_264 = arith.constant 0 : i32
      %dma_wait3A_265 = arith.constant 0 : i32
      %dma_wait3A_266 = tpu.memref_slice %arg2[%add3A_101, %dma_wait3A_264, %dma_wait3A_265] : memref<26x32x100000xf32, #tpu.memory_space<hbm>> -> memref<1x32x100000xf32, #tpu.memory_space<hbm>>
      %dma_wait3A_267 = tpu.memref_squeeze %dma_wait3A_266 : memref<1x32x100000xf32, #tpu.memory_space<hbm>> -> memref<32x100000xf32, #tpu.memory_space<hbm>>
      %dma_wait3A_268 = arith.constant 0 : i32
      %dma_wait3A_269 = tpu.memref_slice %dma_wait3A_267[%add3A, %dma_wait3A_268] : memref<32x100000xf32, #tpu.memory_space<hbm>> -> memref<1x100000xf32, #tpu.memory_space<hbm>>
      %dma_wait3A_270 = tpu.memref_squeeze %dma_wait3A_269 : memref<1x100000xf32, #tpu.memory_space<hbm>> -> memref<100000xf32, #tpu.memory_space<hbm>>
      %dma_wait3A_271 = arith.constant 0 : i32
      %dma_wait3A_272 = tpu.memref_slice %dma_wait3A_270[%dma_wait3A_271] : memref<100000xf32, #tpu.memory_space<hbm>> -> memref<50048xf32, #tpu.memory_space<hbm>>
      %dma_wait3A_273 = arith.constant 0 : i32
      %dma_wait3A_274 = arith.constant 0 : i32
      %dma_wait3A_275 = tpu.memref_slice %arg2[%add3A_101, %dma_wait3A_273, %dma_wait3A_274] : memref<26x32x100000xf32, #tpu.memory_space<hbm>> -> memref<1x32x100000xf32, #tpu.memory_space<hbm>>
      %dma_wait3A_276 = tpu.memref_squeeze %dma_wait3A_275 : memref<1x32x100000xf32, #tpu.memory_space<hbm>> -> memref<32x100000xf32, #tpu.memory_space<hbm>>
      %dma_wait3A_277 = arith.constant 0 : i32
      %dma_wait3A_278 = tpu.memref_slice %dma_wait3A_276[%add3A, %dma_wait3A_277] : memref<32x100000xf32, #tpu.memory_space<hbm>> -> memref<1x100000xf32, #tpu.memory_space<hbm>>
      %dma_wait3A_279 = tpu.memref_squeeze %dma_wait3A_278 : memref<1x100000xf32, #tpu.memory_space<hbm>> -> memref<100000xf32, #tpu.memory_space<hbm>>
      %dma_wait3A_280 = arith.constant 0 : i32
      %dma_wait3A_281 = tpu.memref_slice %dma_wait3A_279[%dma_wait3A_280] : memref<100000xf32, #tpu.memory_space<hbm>> -> memref<50048xf32, #tpu.memory_space<hbm>>
      tpu.wait_dma2 semaphore(%arg12 : memref<!tpu.dma_semaphore, #tpu.memory_space<semaphore_mem>>) src(%dma_wait3A_281 : memref<50048xf32, #tpu.memory_space<hbm>>) dst(%arg6 : memref<50048xf32, #tpu.memory_space<vmem>>)
      %scan3A_282 = arith.constant 0 : i32
      %scan3A_283 = arith.constant 0 : i32
      %scan3A_284 = arith.constant 256 : i32
      %scan3A_285 = arith.addi %scan3A_283, %scan3A_284 : i32
      %scan3A_286 = arith.constant 8 : i32
      %scan3A_287 = scf.for %scan3A_361 = %scan3A_283 to %scan3A_285 step %scan3A_286 iter_args(%scan3A_362 = %scan3A_282) -> (i32)  : i32 {
        %mul3A_363 = arith.constant 16 : i32
        %mul3A_364 = arith.muli %scan3A_361, %mul3A_363 : i32
        %get3A = arith.index_cast %mul3A_364 : i32 to index
        %get3A_365 = tpu.vector_load %arg9[%get3A] {strides = array<i32>} : memref<4096xi32, #tpu.memory_space<vmem>>, vector<16xi32>,
        %lt3A_366 = arith.constant 50048 : i32
        %lt3A_367 = vector.broadcast %lt3A_366 : i32 to vector<16xi32>
        %lt3A_368 = arith.cmpi slt, %get3A_365, %lt3A_367 : vector<16xi32>
        %min3A = arith.constant 50047 : i32
        %min3A_369 = vector.broadcast %min3A : i32 to vector<16xi32>
        %min3A_370 = arith.minsi %get3A_365, %min3A_369 : vector<16xi32>
        %gather3A = tpu.vector_load_idx %arg6[%min3A_370] : memref<50048xf32, #tpu.memory_space<vmem>>[vector<16xi32>], vector<16xf32>,
        %jit3A = arith.constant 0.000000e+00 : f32
        %broadcast_in_dim3A = vector.broadcast %jit3A : f32 to vector<16xf32>
        %select_n3A = arith.select %lt3A_368, %gather3A, %broadcast_in_dim3A : vector<16xi1>, vector<16xf32>
        %mul3A_371 = arith.constant 16 : i32
        %mul3A_372 = arith.muli %scan3A_361, %mul3A_371 : i32
        %swap3A = arith.index_cast %mul3A_372 : i32 to index
        %swap3A_373 = tpu.vector_load %arg11[%swap3A] {strides = array<i32>} : memref<4096xf32, #tpu.memory_space<vmem>>, vector<16xf32>,
        tpu.vector_store %arg11[%swap3A], %select_n3A {strides = array<i32>} : memref<4096xf32, #tpu.memory_space<vmem>>, vector<16xf32>,
        %scan3A_374 = arith.constant 0 : i32
        %scan3A_375 = arith.constant 1 : i32
        %scan3A_376 = arith.addi %scan3A_361, %scan3A_375 : i32
        %mul3A_377 = arith.constant 16 : i32
        %mul3A_378 = arith.muli %scan3A_376, %mul3A_377 : i32
        %get3A_379 = arith.index_cast %mul3A_378 : i32 to index
        %get3A_380 = tpu.vector_load %arg9[%get3A_379] {strides = array<i32>} : memref<4096xi32, #tpu.memory_space<vmem>>, vector<16xi32>,
        %lt3A_381 = arith.constant 50048 : i32
        %lt3A_382 = vector.broadcast %lt3A_381 : i32 to vector<16xi32>
        %lt3A_383 = arith.cmpi slt, %get3A_380, %lt3A_382 : vector<16xi32>
        %min3A_384 = arith.constant 50047 : i32
        %min3A_385 = vector.broadcast %min3A_384 : i32 to vector<16xi32>
        %min3A_386 = arith.minsi %get3A_380, %min3A_385 : vector<16xi32>
        %gather3A_387 = tpu.vector_load_idx %arg6[%min3A_386] : memref<50048xf32, #tpu.memory_space<vmem>>[vector<16xi32>], vector<16xf32>,
        %jit3A_388 = arith.constant 0.000000e+00 : f32
        %broadcast_in_dim3A_389 = vector.broadcast %jit3A_388 : f32 to vector<16xf32>
        %select_n3A_390 = arith.select %lt3A_383, %gather3A_387, %broadcast_in_dim3A_389 : vector<16xi1>, vector<16xf32>
        %mul3A_391 = arith.constant 16 : i32
        %mul3A_392 = arith.muli %scan3A_376, %mul3A_391 : i32
        %swap3A_393 = arith.index_cast %mul3A_392 : i32 to index
        %swap3A_394 = tpu.vector_load %arg11[%swap3A_393] {strides = array<i32>} : memref<4096xf32, #tpu.memory_space<vmem>>, vector<16xf32>,
        tpu.vector_store %arg11[%swap3A_393], %select_n3A_390 {strides = array<i32>} : memref<4096xf32, #tpu.memory_space<vmem>>, vector<16xf32>,
        %scan3A_395 = arith.constant 0 : i32
        %scan3A_396 = arith.constant 2 : i32
        %scan3A_397 = arith.addi %scan3A_361, %scan3A_396 : i32
        %mul3A_398 = arith.constant 16 : i32
        %mul3A_399 = arith.muli %scan3A_397, %mul3A_398 : i32
        %get3A_400 = arith.index_cast %mul3A_399 : i32 to index
        %get3A_401 = tpu.vector_load %arg9[%get3A_400] {strides = array<i32>} : memref<4096xi32, #tpu.memory_space<vmem>>, vector<16xi32>,
        %lt3A_402 = arith.constant 50048 : i32
        %lt3A_403 = vector.broadcast %lt3A_402 : i32 to vector<16xi32>
        %lt3A_404 = arith.cmpi slt, %get3A_401, %lt3A_403 : vector<16xi32>
        %min3A_405 = arith.constant 50047 : i32
        %min3A_406 = vector.broadcast %min3A_405 : i32 to vector<16xi32>
        %min3A_407 = arith.minsi %get3A_401, %min3A_406 : vector<16xi32>
        %gather3A_408 = tpu.vector_load_idx %arg6[%min3A_407] : memref<50048xf32, #tpu.memory_space<vmem>>[vector<16xi32>], vector<16xf32>,
        %jit3A_409 = arith.constant 0.000000e+00 : f32
        %broadcast_in_dim3A_410 = vector.broadcast %jit3A_409 : f32 to vector<16xf32>
        %select_n3A_411 = arith.select %lt3A_404, %gather3A_408, %broadcast_in_dim3A_410 : vector<16xi1>, vector<16xf32>
        %mul3A_412 = arith.constant 16 : i32
        %mul3A_413 = arith.muli %scan3A_397, %mul3A_412 : i32
        %swap3A_414 = arith.index_cast %mul3A_413 : i32 to index
        %swap3A_415 = tpu.vector_load %arg11[%swap3A_414] {strides = array<i32>} : memref<4096xf32, #tpu.memory_space<vmem>>, vector<16xf32>,
        tpu.vector_store %arg11[%swap3A_414], %select_n3A_411 {strides = array<i32>} : memref<4096xf32, #tpu.memory_space<vmem>>, vector<16xf32>,
        %scan3A_416 = arith.constant 0 : i32
        %scan3A_417 = arith.constant 3 : i32
        %scan3A_418 = arith.addi %scan3A_361, %scan3A_417 : i32
        %mul3A_419 = arith.constant 16 : i32
        %mul3A_420 = arith.muli %scan3A_418, %mul3A_419 : i32
        %get3A_421 = arith.index_cast %mul3A_420 : i32 to index
        %get3A_422 = tpu.vector_load %arg9[%get3A_421] {strides = array<i32>} : memref<4096xi32, #tpu.memory_space<vmem>>, vector<16xi32>,
        %lt3A_423 = arith.constant 50048 : i32
        %lt3A_424 = vector.broadcast %lt3A_423 : i32 to vector<16xi32>
        %lt3A_425 = arith.cmpi slt, %get3A_422, %lt3A_424 : vector<16xi32>
        %min3A_426 = arith.constant 50047 : i32
        %min3A_427 = vector.broadcast %min3A_426 : i32 to vector<16xi32>
        %min3A_428 = arith.minsi %get3A_422, %min3A_427 : vector<16xi32>
        %gather3A_429 = tpu.vector_load_idx %arg6[%min3A_428] : memref<50048xf32, #tpu.memory_space<vmem>>[vector<16xi32>], vector<16xf32>,
        %jit3A_430 = arith.constant 0.000000e+00 : f32
        %broadcast_in_dim3A_431 = vector.broadcast %jit3A_430 : f32 to vector<16xf32>
        %select_n3A_432 = arith.select %lt3A_425, %gather3A_429, %broadcast_in_dim3A_431 : vector<16xi1>, vector<16xf32>
        %mul3A_433 = arith.constant 16 : i32
        %mul3A_434 = arith.muli %scan3A_418, %mul3A_433 : i32
        %swap3A_435 = arith.index_cast %mul3A_434 : i32 to index
        %swap3A_436 = tpu.vector_load %arg11[%swap3A_435] {strides = array<i32>} : memref<4096xf32, #tpu.memory_space<vmem>>, vector<16xf32>,
        tpu.vector_store %arg11[%swap3A_435], %select_n3A_432 {strides = array<i32>} : memref<4096xf32, #tpu.memory_space<vmem>>, vector<16xf32>,
        %scan3A_437 = arith.constant 0 : i32
        %scan3A_438 = arith.constant 4 : i32
        %scan3A_439 = arith.addi %scan3A_361, %scan3A_438 : i32
        %mul3A_440 = arith.constant 16 : i32
        %mul3A_441 = arith.muli %scan3A_439, %mul3A_440 : i32
        %get3A_442 = arith.index_cast %mul3A_441 : i32 to index
        %get3A_443 = tpu.vector_load %arg9[%get3A_442] {strides = array<i32>} : memref<4096xi32, #tpu.memory_space<vmem>>, vector<16xi32>,
        %lt3A_444 = arith.constant 50048 : i32
        %lt3A_445 = vector.broadcast %lt3A_444 : i32 to vector<16xi32>
        %lt3A_446 = arith.cmpi slt, %get3A_443, %lt3A_445 : vector<16xi32>
        %min3A_447 = arith.constant 50047 : i32
        %min3A_448 = vector.broadcast %min3A_447 : i32 to vector<16xi32>
        %min3A_449 = arith.minsi %get3A_443, %min3A_448 : vector<16xi32>
        %gather3A_450 = tpu.vector_load_idx %arg6[%min3A_449] : memref<50048xf32, #tpu.memory_space<vmem>>[vector<16xi32>], vector<16xf32>,
        %jit3A_451 = arith.constant 0.000000e+00 : f32
        %broadcast_in_dim3A_452 = vector.broadcast %jit3A_451 : f32 to vector<16xf32>
        %select_n3A_453 = arith.select %lt3A_446, %gather3A_450, %broadcast_in_dim3A_452 : vector<16xi1>, vector<16xf32>
        %mul3A_454 = arith.constant 16 : i32
        %mul3A_455 = arith.muli %scan3A_439, %mul3A_454 : i32
        %swap3A_456 = arith.index_cast %mul3A_455 : i32 to index
        %swap3A_457 = tpu.vector_load %arg11[%swap3A_456] {strides = array<i32>} : memref<4096xf32, #tpu.memory_space<vmem>>, vector<16xf32>,
        tpu.vector_store %arg11[%swap3A_456], %select_n3A_453 {strides = array<i32>} : memref<4096xf32, #tpu.memory_space<vmem>>, vector<16xf32>,
        %scan3A_458 = arith.constant 0 : i32
        %scan3A_459 = arith.constant 5 : i32
        %scan3A_460 = arith.addi %scan3A_361, %scan3A_459 : i32
        %mul3A_461 = arith.constant 16 : i32
        %mul3A_462 = arith.muli %scan3A_460, %mul3A_461 : i32
        %get3A_463 = arith.index_cast %mul3A_462 : i32 to index
        %get3A_464 = tpu.vector_load %arg9[%get3A_463] {strides = array<i32>} : memref<4096xi32, #tpu.memory_space<vmem>>, vector<16xi32>,
        %lt3A_465 = arith.constant 50048 : i32
        %lt3A_466 = vector.broadcast %lt3A_465 : i32 to vector<16xi32>
        %lt3A_467 = arith.cmpi slt, %get3A_464, %lt3A_466 : vector<16xi32>
        %min3A_468 = arith.constant 50047 : i32
        %min3A_469 = vector.broadcast %min3A_468 : i32 to vector<16xi32>
        %min3A_470 = arith.minsi %get3A_464, %min3A_469 : vector<16xi32>
        %gather3A_471 = tpu.vector_load_idx %arg6[%min3A_470] : memref<50048xf32, #tpu.memory_space<vmem>>[vector<16xi32>], vector<16xf32>,
        %jit3A_472 = arith.constant 0.000000e+00 : f32
        %broadcast_in_dim3A_473 = vector.broadcast %jit3A_472 : f32 to vector<16xf32>
        %select_n3A_474 = arith.select %lt3A_467, %gather3A_471, %broadcast_in_dim3A_473 : vector<16xi1>, vector<16xf32>
        %mul3A_475 = arith.constant 16 : i32
        %mul3A_476 = arith.muli %scan3A_460, %mul3A_475 : i32
        %swap3A_477 = arith.index_cast %mul3A_476 : i32 to index
        %swap3A_478 = tpu.vector_load %arg11[%swap3A_477] {strides = array<i32>} : memref<4096xf32, #tpu.memory_space<vmem>>, vector<16xf32>,
        tpu.vector_store %arg11[%swap3A_477], %select_n3A_474 {strides = array<i32>} : memref<4096xf32, #tpu.memory_space<vmem>>, vector<16xf32>,
        %scan3A_479 = arith.constant 0 : i32
        %scan3A_480 = arith.constant 6 : i32
        %scan3A_481 = arith.addi %scan3A_361, %scan3A_480 : i32
        %mul3A_482 = arith.constant 16 : i32
        %mul3A_483 = arith.muli %scan3A_481, %mul3A_482 : i32
        %get3A_484 = arith.index_cast %mul3A_483 : i32 to index
        %get3A_485 = tpu.vector_load %arg9[%get3A_484] {strides = array<i32>} : memref<4096xi32, #tpu.memory_space<vmem>>, vector<16xi32>,
        %lt3A_486 = arith.constant 50048 : i32
        %lt3A_487 = vector.broadcast %lt3A_486 : i32 to vector<16xi32>
        %lt3A_488 = arith.cmpi slt, %get3A_485, %lt3A_487 : vector<16xi32>
        %min3A_489 = arith.constant 50047 : i32
        %min3A_490 = vector.broadcast %min3A_489 : i32 to vector<16xi32>
        %min3A_491 = arith.minsi %get3A_485, %min3A_490 : vector<16xi32>
        %gather3A_492 = tpu.vector_load_idx %arg6[%min3A_491] : memref<50048xf32, #tpu.memory_space<vmem>>[vector<16xi32>], vector<16xf32>,
        %jit3A_493 = arith.constant 0.000000e+00 : f32
        %broadcast_in_dim3A_494 = vector.broadcast %jit3A_493 : f32 to vector<16xf32>
        %select_n3A_495 = arith.select %lt3A_488, %gather3A_492, %broadcast_in_dim3A_494 : vector<16xi1>, vector<16xf32>
        %mul3A_496 = arith.constant 16 : i32
        %mul3A_497 = arith.muli %scan3A_481, %mul3A_496 : i32
        %swap3A_498 = arith.index_cast %mul3A_497 : i32 to index
        %swap3A_499 = tpu.vector_load %arg11[%swap3A_498] {strides = array<i32>} : memref<4096xf32, #tpu.memory_space<vmem>>, vector<16xf32>,
        tpu.vector_store %arg11[%swap3A_498], %select_n3A_495 {strides = array<i32>} : memref<4096xf32, #tpu.memory_space<vmem>>, vector<16xf32>,
        %scan3A_500 = arith.constant 0 : i32
        %scan3A_501 = arith.constant 7 : i32
        %scan3A_502 = arith.addi %scan3A_361, %scan3A_501 : i32
        %mul3A_503 = arith.constant 16 : i32
        %mul3A_504 = arith.muli %scan3A_502, %mul3A_503 : i32
        %get3A_505 = arith.index_cast %mul3A_504 : i32 to index
        %get3A_506 = tpu.vector_load %arg9[%get3A_505] {strides = array<i32>} : memref<4096xi32, #tpu.memory_space<vmem>>, vector<16xi32>,
        %lt3A_507 = arith.constant 50048 : i32
        %lt3A_508 = vector.broadcast %lt3A_507 : i32 to vector<16xi32>
        %lt3A_509 = arith.cmpi slt, %get3A_506, %lt3A_508 : vector<16xi32>
        %min3A_510 = arith.constant 50047 : i32
        %min3A_511 = vector.broadcast %min3A_510 : i32 to vector<16xi32>
        %min3A_512 = arith.minsi %get3A_506, %min3A_511 : vector<16xi32>
        %gather3A_513 = tpu.vector_load_idx %arg6[%min3A_512] : memref<50048xf32, #tpu.memory_space<vmem>>[vector<16xi32>], vector<16xf32>,
        %jit3A_514 = arith.constant 0.000000e+00 : f32
        %broadcast_in_dim3A_515 = vector.broadcast %jit3A_514 : f32 to vector<16xf32>
        %select_n3A_516 = arith.select %lt3A_509, %gather3A_513, %broadcast_in_dim3A_515 : vector<16xi1>, vector<16xf32>
        %mul3A_517 = arith.constant 16 : i32
        %mul3A_518 = arith.muli %scan3A_502, %mul3A_517 : i32
        %swap3A_519 = arith.index_cast %mul3A_518 : i32 to index
        %swap3A_520 = tpu.vector_load %arg11[%swap3A_519] {strides = array<i32>} : memref<4096xf32, #tpu.memory_space<vmem>>, vector<16xf32>,
        tpu.vector_store %arg11[%swap3A_519], %select_n3A_516 {strides = array<i32>} : memref<4096xf32, #tpu.memory_space<vmem>>, vector<16xf32>,
        %scan3A_521 = arith.constant 0 : i32
        scf.yield %scan3A_521 : i32
      }
      %scan3A_288 = arith.constant 256 : i32
      %lt3A_289 = arith.constant 12 : i32
      %lt3A_290 = arith.cmpi slt, %scan3A_96, %lt3A_289 : i32
      %convert_element_type3A_291 = arith.extui %lt3A_290 : i1 to i32
      %cond3A_292 = arith.constant 0 : i32
      %cond3A_293 = arith.cmpi ne, %convert_element_type3A_291, %cond3A_292 : i32
      scf.if %cond3A_293 {
        %add3A_361 = arith.constant 2 : i32
        %add3A_362 = arith.addi %mul3A_99, %add3A_361 : i32
        %dma_start3A_363 = arith.constant 0 : i32
        %dma_start3A_364 = arith.constant 0 : i32
        %dma_start3A_365 = tpu.memref_slice %arg2[%add3A_362, %dma_start3A_363, %dma_start3A_364] : memref<26x32x100000xf32, #tpu.memory_space<hbm>> -> memref<1x32x100000xf32, #tpu.memory_space<hbm>>
        %dma_start3A_366 = tpu.memref_squeeze %dma_start3A_365 : memref<1x32x100000xf32, #tpu.memory_space<hbm>> -> memref<32x100000xf32, #tpu.memory_space<hbm>>
        %dma_start3A_367 = arith.constant 0 : i32
        %dma_start3A_368 = tpu.memref_slice %dma_start3A_366[%add3A, %dma_start3A_367] : memref<32x100000xf32, #tpu.memory_space<hbm>> -> memref<1x100000xf32, #tpu.memory_space<hbm>>
        %dma_start3A_369 = tpu.memref_squeeze %dma_start3A_368 : memref<1x100000xf32, #tpu.memory_space<hbm>> -> memref<100000xf32, #tpu.memory_space<hbm>>
        %dma_start3A_370 = arith.constant 0 : i32
        %dma_start3A_371 = tpu.memref_slice %dma_start3A_369[%dma_start3A_370] : memref<100000xf32, #tpu.memory_space<hbm>> -> memref<50048xf32, #tpu.memory_space<hbm>>
        %dma_start3A_372 = arith.constant 0 : i32
        %dma_start3A_373 = arith.constant 0 : i32
        %dma_start3A_374 = tpu.memref_slice %arg2[%add3A_362, %dma_start3A_372, %dma_start3A_373] : memref<26x32x100000xf32, #tpu.memory_space<hbm>> -> memref<1x32x100000xf32, #tpu.memory_space<hbm>>
        %dma_start3A_375 = tpu.memref_squeeze %dma_start3A_374 : memref<1x32x100000xf32, #tpu.memory_space<hbm>> -> memref<32x100000xf32, #tpu.memory_space<hbm>>
        %dma_start3A_376 = arith.constant 0 : i32
        %dma_start3A_377 = tpu.memref_slice %dma_start3A_375[%add3A, %dma_start3A_376] : memref<32x100000xf32, #tpu.memory_space<hbm>> -> memref<1x100000xf32, #tpu.memory_space<hbm>>
        %dma_start3A_378 = tpu.memref_squeeze %dma_start3A_377 : memref<1x100000xf32, #tpu.memory_space<hbm>> -> memref<100000xf32, #tpu.memory_space<hbm>>
        %dma_start3A_379 = arith.constant 0 : i32
        %dma_start3A_380 = tpu.memref_slice %dma_start3A_378[%dma_start3A_379] : memref<100000xf32, #tpu.memory_space<hbm>> -> memref<50048xf32, #tpu.memory_space<hbm>>
        tpu.enqueue_dma source(%dma_start3A_380 : memref<50048xf32, #tpu.memory_space<hbm>>) target(%arg6 : memref<50048xf32, #tpu.memory_space<vmem>>) target_semaphore(%arg12 : memref<!tpu.dma_semaphore, #tpu.memory_space<semaphore_mem>>)
      } else {
      }
      %dma_wait3A_294 = arith.constant 0 : i32
      %dma_wait3A_295 = tpu.memref_slice %arg7[%dma_wait3A_294] : memref<50048xf32, #tpu.memory_space<vmem>> -> memref<49920xf32, #tpu.memory_space<vmem>>
      %dma_wait3A_296 = arith.constant 0 : i32
      %dma_wait3A_297 = arith.constant 0 : i32
      %dma_wait3A_298 = tpu.memref_slice %arg2[%add3A_101, %dma_wait3A_296, %dma_wait3A_297] : memref<26x32x100000xf32, #tpu.memory_space<hbm>> -> memref<1x32x100000xf32, #tpu.memory_space<hbm>>
      %dma_wait3A_299 = tpu.memref_squeeze %dma_wait3A_298 : memref<1x32x100000xf32, #tpu.memory_space<hbm>> -> memref<32x100000xf32, #tpu.memory_space<hbm>>
      %dma_wait3A_300 = arith.constant 0 : i32
      %dma_wait3A_301 = tpu.memref_slice %dma_wait3A_299[%add3A, %dma_wait3A_300] : memref<32x100000xf32, #tpu.memory_space<hbm>> -> memref<1x100000xf32, #tpu.memory_space<hbm>>
      %dma_wait3A_302 = tpu.memref_squeeze %dma_wait3A_301 : memref<1x100000xf32, #tpu.memory_space<hbm>> -> memref<100000xf32, #tpu.memory_space<hbm>>
      %dma_wait3A_303 = arith.constant 50048 : i32
      %dma_wait3A_304 = tpu.memref_slice %dma_wait3A_302[%dma_wait3A_303] : memref<100000xf32, #tpu.memory_space<hbm>> -> memref<49920xf32, #tpu.memory_space<hbm>>
      %dma_wait3A_305 = arith.constant 0 : i32
      %dma_wait3A_306 = tpu.memref_slice %arg7[%dma_wait3A_305] : memref<50048xf32, #tpu.memory_space<vmem>> -> memref<49920xf32, #tpu.memory_space<vmem>>
      %dma_wait3A_307 = arith.constant 0 : i32
      %dma_wait3A_308 = arith.constant 0 : i32
      %dma_wait3A_309 = tpu.memref_slice %arg2[%add3A_101, %dma_wait3A_307, %dma_wait3A_308] : memref<26x32x100000xf32, #tpu.memory_space<hbm>> -> memref<1x32x100000xf32, #tpu.memory_space<hbm>>
      %dma_wait3A_310 = tpu.memref_squeeze %dma_wait3A_309 : memref<1x32x100000xf32, #tpu.memory_space<hbm>> -> memref<32x100000xf32, #tpu.memory_space<hbm>>
      %dma_wait3A_311 = arith.constant 0 : i32
      %dma_wait3A_312 = tpu.memref_slice %dma_wait3A_310[%add3A, %dma_wait3A_311] : memref<32x100000xf32, #tpu.memory_space<hbm>> -> memref<1x100000xf32, #tpu.memory_space<hbm>>
      %dma_wait3A_313 = tpu.memref_squeeze %dma_wait3A_312 : memref<1x100000xf32, #tpu.memory_space<hbm>> -> memref<100000xf32, #tpu.memory_space<hbm>>
      %dma_wait3A_314 = arith.constant 50048 : i32
      %dma_wait3A_315 = tpu.memref_slice %dma_wait3A_313[%dma_wait3A_314] : memref<100000xf32, #tpu.memory_space<hbm>> -> memref<49920xf32, #tpu.memory_space<hbm>>
      tpu.wait_dma2 semaphore(%arg13 : memref<!tpu.dma_semaphore, #tpu.memory_space<semaphore_mem>>) src(%dma_wait3A_315 : memref<49920xf32, #tpu.memory_space<hbm>>) dst(%dma_wait3A_306 : memref<49920xf32, #tpu.memory_space<vmem>>)
      %dma_wait3A_316 = arith.constant 49920 : i32
      %dma_wait3A_317 = tpu.memref_slice %arg7[%dma_wait3A_316] : memref<50048xf32, #tpu.memory_space<vmem>> -> memref<128xf32, #tpu.memory_space<vmem>>
      %dma_wait3A_318 = arith.constant 0 : i32
      %dma_wait3A_319 = arith.constant 0 : i32
      %dma_wait3A_320 = tpu.memref_slice %arg3[%add3A_101, %dma_wait3A_318, %dma_wait3A_319] : memref<26x32x128xf32, #tpu.memory_space<hbm>> -> memref<1x32x128xf32, #tpu.memory_space<hbm>>
      %dma_wait3A_321 = tpu.memref_squeeze %dma_wait3A_320 : memref<1x32x128xf32, #tpu.memory_space<hbm>> -> memref<32x128xf32, #tpu.memory_space<hbm>>
      %dma_wait3A_322 = arith.constant 0 : i32
      %dma_wait3A_323 = tpu.memref_slice %dma_wait3A_321[%add3A, %dma_wait3A_322] : memref<32x128xf32, #tpu.memory_space<hbm>> -> memref<1x128xf32, #tpu.memory_space<hbm>>
      %dma_wait3A_324 = tpu.memref_squeeze %dma_wait3A_323 : memref<1x128xf32, #tpu.memory_space<hbm>> -> memref<128xf32, #tpu.memory_space<hbm>>
      %dma_wait3A_325 = arith.constant 49920 : i32
      %dma_wait3A_326 = tpu.memref_slice %arg7[%dma_wait3A_325] : memref<50048xf32, #tpu.memory_space<vmem>> -> memref<128xf32, #tpu.memory_space<vmem>>
      %dma_wait3A_327 = arith.constant 0 : i32
      %dma_wait3A_328 = arith.constant 0 : i32
      %dma_wait3A_329 = tpu.memref_slice %arg3[%add3A_101, %dma_wait3A_327, %dma_wait3A_328] : memref<26x32x128xf32, #tpu.memory_space<hbm>> -> memref<1x32x128xf32, #tpu.memory_space<hbm>>
      %dma_wait3A_330 = tpu.memref_squeeze %dma_wait3A_329 : memref<1x32x128xf32, #tpu.memory_space<hbm>> -> memref<32x128xf32, #tpu.memory_space<hbm>>
      %dma_wait3A_331 = arith.constant 0 : i32
      %dma_wait3A_332 = tpu.memref_slice %dma_wait3A_330[%add3A, %dma_wait3A_331] : memref<32x128xf32, #tpu.memory_space<hbm>> -> memref<1x128xf32, #tpu.memory_space<hbm>>
      %dma_wait3A_333 = tpu.memref_squeeze %dma_wait3A_332 : memref<1x128xf32, #tpu.memory_space<hbm>> -> memref<128xf32, #tpu.memory_space<hbm>>
      tpu.wait_dma2 semaphore(%arg13 : memref<!tpu.dma_semaphore, #tpu.memory_space<semaphore_mem>>) src(%dma_wait3A_333 : memref<128xf32, #tpu.memory_space<hbm>>) dst(%dma_wait3A_326 : memref<128xf32, #tpu.memory_space<vmem>>)
      %scan3A_334 = arith.constant 0 : i32
      %scan3A_335 = arith.constant 0 : i32
      %scan3A_336 = arith.constant 256 : i32
      %scan3A_337 = arith.addi %scan3A_335, %scan3A_336 : i32
      %scan3A_338 = arith.constant 8 : i32
      %scan3A_339 = scf.for %scan3A_361 = %scan3A_335 to %scan3A_337 step %scan3A_338 iter_args(%scan3A_362 = %scan3A_334) -> (i32)  : i32 {
        %mul3A_363 = arith.constant 16 : i32
        %mul3A_364 = arith.muli %scan3A_361, %mul3A_363 : i32
        %get3A = arith.index_cast %mul3A_364 : i32 to index
        %get3A_365 = tpu.vector_load %arg9[%get3A] {strides = array<i32>} : memref<4096xi32, #tpu.memory_space<vmem>>, vector<16xi32>,
        %sub3A = arith.constant 50048 : i32
        %sub3A_366 = vector.broadcast %sub3A : i32 to vector<16xi32>
        %sub3A_367 = arith.subi %get3A_365, %sub3A_366 : vector<16xi32>
        %ge3A = arith.constant 0 : i32
        %ge3A_368 = vector.broadcast %ge3A : i32 to vector<16xi32>
        %ge3A_369 = arith.cmpi sge, %sub3A_367, %ge3A_368 : vector<16xi32>
        %max3A = arith.constant 0 : i32
        %max3A_370 = vector.broadcast %max3A : i32 to vector<16xi32>
        %max3A_371 = arith.maxsi %sub3A_367, %max3A_370 : vector<16xi32>
        %gather3A = tpu.vector_load_idx %arg7[%max3A_371] : memref<50048xf32, #tpu.memory_space<vmem>>[vector<16xi32>], vector<16xf32>,
        %mul3A_372 = arith.constant 16 : i32
        %mul3A_373 = arith.muli %scan3A_361, %mul3A_372 : i32
        %get3A_374 = arith.index_cast %mul3A_373 : i32 to index
        %get3A_375 = tpu.vector_load %arg11[%get3A_374] {strides = array<i32>} : memref<4096xf32, #tpu.memory_space<vmem>>, vector<16xf32>,
        %select_n3A = arith.select %ge3A_369, %gather3A, %get3A_375 : vector<16xi1>, vector<16xf32>
        %mul3A_376 = arith.constant 16 : i32
        %mul3A_377 = arith.muli %scan3A_361, %mul3A_376 : i32
        %swap3A = arith.index_cast %mul3A_377 : i32 to index
        %swap3A_378 = tpu.vector_load %arg11[%swap3A] {strides = array<i32>} : memref<4096xf32, #tpu.memory_space<vmem>>, vector<16xf32>,
        tpu.vector_store %arg11[%swap3A], %select_n3A {strides = array<i32>} : memref<4096xf32, #tpu.memory_space<vmem>>, vector<16xf32>,
        %scan3A_379 = arith.constant 0 : i32
        %scan3A_380 = arith.constant 1 : i32
        %scan3A_381 = arith.addi %scan3A_361, %scan3A_380 : i32
        %mul3A_382 = arith.constant 16 : i32
        %mul3A_383 = arith.muli %scan3A_381, %mul3A_382 : i32
        %get3A_384 = arith.index_cast %mul3A_383 : i32 to index
        %get3A_385 = tpu.vector_load %arg9[%get3A_384] {strides = array<i32>} : memref<4096xi32, #tpu.memory_space<vmem>>, vector<16xi32>,
        %sub3A_386 = arith.constant 50048 : i32
        %sub3A_387 = vector.broadcast %sub3A_386 : i32 to vector<16xi32>
        %sub3A_388 = arith.subi %get3A_385, %sub3A_387 : vector<16xi32>
        %ge3A_389 = arith.constant 0 : i32
        %ge3A_390 = vector.broadcast %ge3A_389 : i32 to vector<16xi32>
        %ge3A_391 = arith.cmpi sge, %sub3A_388, %ge3A_390 : vector<16xi32>
        %max3A_392 = arith.constant 0 : i32
        %max3A_393 = vector.broadcast %max3A_392 : i32 to vector<16xi32>
        %max3A_394 = arith.maxsi %sub3A_388, %max3A_393 : vector<16xi32>
        %gather3A_395 = tpu.vector_load_idx %arg7[%max3A_394] : memref<50048xf32, #tpu.memory_space<vmem>>[vector<16xi32>], vector<16xf32>,
        %mul3A_396 = arith.constant 16 : i32
        %mul3A_397 = arith.muli %scan3A_381, %mul3A_396 : i32
        %get3A_398 = arith.index_cast %mul3A_397 : i32 to index
        %get3A_399 = tpu.vector_load %arg11[%get3A_398] {strides = array<i32>} : memref<4096xf32, #tpu.memory_space<vmem>>, vector<16xf32>,
        %select_n3A_400 = arith.select %ge3A_391, %gather3A_395, %get3A_399 : vector<16xi1>, vector<16xf32>
        %mul3A_401 = arith.constant 16 : i32
        %mul3A_402 = arith.muli %scan3A_381, %mul3A_401 : i32
        %swap3A_403 = arith.index_cast %mul3A_402 : i32 to index
        %swap3A_404 = tpu.vector_load %arg11[%swap3A_403] {strides = array<i32>} : memref<4096xf32, #tpu.memory_space<vmem>>, vector<16xf32>,
        tpu.vector_store %arg11[%swap3A_403], %select_n3A_400 {strides = array<i32>} : memref<4096xf32, #tpu.memory_space<vmem>>, vector<16xf32>,
        %scan3A_405 = arith.constant 0 : i32
        %scan3A_406 = arith.constant 2 : i32
        %scan3A_407 = arith.addi %scan3A_361, %scan3A_406 : i32
        %mul3A_408 = arith.constant 16 : i32
        %mul3A_409 = arith.muli %scan3A_407, %mul3A_408 : i32
        %get3A_410 = arith.index_cast %mul3A_409 : i32 to index
        %get3A_411 = tpu.vector_load %arg9[%get3A_410] {strides = array<i32>} : memref<4096xi32, #tpu.memory_space<vmem>>, vector<16xi32>,
        %sub3A_412 = arith.constant 50048 : i32
        %sub3A_413 = vector.broadcast %sub3A_412 : i32 to vector<16xi32>
        %sub3A_414 = arith.subi %get3A_411, %sub3A_413 : vector<16xi32>
        %ge3A_415 = arith.constant 0 : i32
        %ge3A_416 = vector.broadcast %ge3A_415 : i32 to vector<16xi32>
        %ge3A_417 = arith.cmpi sge, %sub3A_414, %ge3A_416 : vector<16xi32>
        %max3A_418 = arith.constant 0 : i32
        %max3A_419 = vector.broadcast %max3A_418 : i32 to vector<16xi32>
        %max3A_420 = arith.maxsi %sub3A_414, %max3A_419 : vector<16xi32>
        %gather3A_421 = tpu.vector_load_idx %arg7[%max3A_420] : memref<50048xf32, #tpu.memory_space<vmem>>[vector<16xi32>], vector<16xf32>,
        %mul3A_422 = arith.constant 16 : i32
        %mul3A_423 = arith.muli %scan3A_407, %mul3A_422 : i32
        %get3A_424 = arith.index_cast %mul3A_423 : i32 to index
        %get3A_425 = tpu.vector_load %arg11[%get3A_424] {strides = array<i32>} : memref<4096xf32, #tpu.memory_space<vmem>>, vector<16xf32>,
        %select_n3A_426 = arith.select %ge3A_417, %gather3A_421, %get3A_425 : vector<16xi1>, vector<16xf32>
        %mul3A_427 = arith.constant 16 : i32
        %mul3A_428 = arith.muli %scan3A_407, %mul3A_427 : i32
        %swap3A_429 = arith.index_cast %mul3A_428 : i32 to index
        %swap3A_430 = tpu.vector_load %arg11[%swap3A_429] {strides = array<i32>} : memref<4096xf32, #tpu.memory_space<vmem>>, vector<16xf32>,
        tpu.vector_store %arg11[%swap3A_429], %select_n3A_426 {strides = array<i32>} : memref<4096xf32, #tpu.memory_space<vmem>>, vector<16xf32>,
        %scan3A_431 = arith.constant 0 : i32
        %scan3A_432 = arith.constant 3 : i32
        %scan3A_433 = arith.addi %scan3A_361, %scan3A_432 : i32
        %mul3A_434 = arith.constant 16 : i32
        %mul3A_435 = arith.muli %scan3A_433, %mul3A_434 : i32
        %get3A_436 = arith.index_cast %mul3A_435 : i32 to index
        %get3A_437 = tpu.vector_load %arg9[%get3A_436] {strides = array<i32>} : memref<4096xi32, #tpu.memory_space<vmem>>, vector<16xi32>,
        %sub3A_438 = arith.constant 50048 : i32
        %sub3A_439 = vector.broadcast %sub3A_438 : i32 to vector<16xi32>
        %sub3A_440 = arith.subi %get3A_437, %sub3A_439 : vector<16xi32>
        %ge3A_441 = arith.constant 0 : i32
        %ge3A_442 = vector.broadcast %ge3A_441 : i32 to vector<16xi32>
        %ge3A_443 = arith.cmpi sge, %sub3A_440, %ge3A_442 : vector<16xi32>
        %max3A_444 = arith.constant 0 : i32
        %max3A_445 = vector.broadcast %max3A_444 : i32 to vector<16xi32>
        %max3A_446 = arith.maxsi %sub3A_440, %max3A_445 : vector<16xi32>
        %gather3A_447 = tpu.vector_load_idx %arg7[%max3A_446] : memref<50048xf32, #tpu.memory_space<vmem>>[vector<16xi32>], vector<16xf32>,
        %mul3A_448 = arith.constant 16 : i32
        %mul3A_449 = arith.muli %scan3A_433, %mul3A_448 : i32
        %get3A_450 = arith.index_cast %mul3A_449 : i32 to index
        %get3A_451 = tpu.vector_load %arg11[%get3A_450] {strides = array<i32>} : memref<4096xf32, #tpu.memory_space<vmem>>, vector<16xf32>,
        %select_n3A_452 = arith.select %ge3A_443, %gather3A_447, %get3A_451 : vector<16xi1>, vector<16xf32>
        %mul3A_453 = arith.constant 16 : i32
        %mul3A_454 = arith.muli %scan3A_433, %mul3A_453 : i32
        %swap3A_455 = arith.index_cast %mul3A_454 : i32 to index
        %swap3A_456 = tpu.vector_load %arg11[%swap3A_455] {strides = array<i32>} : memref<4096xf32, #tpu.memory_space<vmem>>, vector<16xf32>,
        tpu.vector_store %arg11[%swap3A_455], %select_n3A_452 {strides = array<i32>} : memref<4096xf32, #tpu.memory_space<vmem>>, vector<16xf32>,
        %scan3A_457 = arith.constant 0 : i32
        %scan3A_458 = arith.constant 4 : i32
        %scan3A_459 = arith.addi %scan3A_361, %scan3A_458 : i32
        %mul3A_460 = arith.constant 16 : i32
        %mul3A_461 = arith.muli %scan3A_459, %mul3A_460 : i32
        %get3A_462 = arith.index_cast %mul3A_461 : i32 to index
        %get3A_463 = tpu.vector_load %arg9[%get3A_462] {strides = array<i32>} : memref<4096xi32, #tpu.memory_space<vmem>>, vector<16xi32>,
        %sub3A_464 = arith.constant 50048 : i32
        %sub3A_465 = vector.broadcast %sub3A_464 : i32 to vector<16xi32>
        %sub3A_466 = arith.subi %get3A_463, %sub3A_465 : vector<16xi32>
        %ge3A_467 = arith.constant 0 : i32
        %ge3A_468 = vector.broadcast %ge3A_467 : i32 to vector<16xi32>
        %ge3A_469 = arith.cmpi sge, %sub3A_466, %ge3A_468 : vector<16xi32>
        %max3A_470 = arith.constant 0 : i32
        %max3A_471 = vector.broadcast %max3A_470 : i32 to vector<16xi32>
        %max3A_472 = arith.maxsi %sub3A_466, %max3A_471 : vector<16xi32>
        %gather3A_473 = tpu.vector_load_idx %arg7[%max3A_472] : memref<50048xf32, #tpu.memory_space<vmem>>[vector<16xi32>], vector<16xf32>,
        %mul3A_474 = arith.constant 16 : i32
        %mul3A_475 = arith.muli %scan3A_459, %mul3A_474 : i32
        %get3A_476 = arith.index_cast %mul3A_475 : i32 to index
        %get3A_477 = tpu.vector_load %arg11[%get3A_476] {strides = array<i32>} : memref<4096xf32, #tpu.memory_space<vmem>>, vector<16xf32>,
        %select_n3A_478 = arith.select %ge3A_469, %gather3A_473, %get3A_477 : vector<16xi1>, vector<16xf32>
        %mul3A_479 = arith.constant 16 : i32
        %mul3A_480 = arith.muli %scan3A_459, %mul3A_479 : i32
        %swap3A_481 = arith.index_cast %mul3A_480 : i32 to index
        %swap3A_482 = tpu.vector_load %arg11[%swap3A_481] {strides = array<i32>} : memref<4096xf32, #tpu.memory_space<vmem>>, vector<16xf32>,
        tpu.vector_store %arg11[%swap3A_481], %select_n3A_478 {strides = array<i32>} : memref<4096xf32, #tpu.memory_space<vmem>>, vector<16xf32>,
        %scan3A_483 = arith.constant 0 : i32
        %scan3A_484 = arith.constant 5 : i32
        %scan3A_485 = arith.addi %scan3A_361, %scan3A_484 : i32
        %mul3A_486 = arith.constant 16 : i32
        %mul3A_487 = arith.muli %scan3A_485, %mul3A_486 : i32
        %get3A_488 = arith.index_cast %mul3A_487 : i32 to index
        %get3A_489 = tpu.vector_load %arg9[%get3A_488] {strides = array<i32>} : memref<4096xi32, #tpu.memory_space<vmem>>, vector<16xi32>,
        %sub3A_490 = arith.constant 50048 : i32
        %sub3A_491 = vector.broadcast %sub3A_490 : i32 to vector<16xi32>
        %sub3A_492 = arith.subi %get3A_489, %sub3A_491 : vector<16xi32>
        %ge3A_493 = arith.constant 0 : i32
        %ge3A_494 = vector.broadcast %ge3A_493 : i32 to vector<16xi32>
        %ge3A_495 = arith.cmpi sge, %sub3A_492, %ge3A_494 : vector<16xi32>
        %max3A_496 = arith.constant 0 : i32
        %max3A_497 = vector.broadcast %max3A_496 : i32 to vector<16xi32>
        %max3A_498 = arith.maxsi %sub3A_492, %max3A_497 : vector<16xi32>
        %gather3A_499 = tpu.vector_load_idx %arg7[%max3A_498] : memref<50048xf32, #tpu.memory_space<vmem>>[vector<16xi32>], vector<16xf32>,
        %mul3A_500 = arith.constant 16 : i32
        %mul3A_501 = arith.muli %scan3A_485, %mul3A_500 : i32
        %get3A_502 = arith.index_cast %mul3A_501 : i32 to index
        %get3A_503 = tpu.vector_load %arg11[%get3A_502] {strides = array<i32>} : memref<4096xf32, #tpu.memory_space<vmem>>, vector<16xf32>,
        %select_n3A_504 = arith.select %ge3A_495, %gather3A_499, %get3A_503 : vector<16xi1>, vector<16xf32>
        %mul3A_505 = arith.constant 16 : i32
        %mul3A_506 = arith.muli %scan3A_485, %mul3A_505 : i32
        %swap3A_507 = arith.index_cast %mul3A_506 : i32 to index
        %swap3A_508 = tpu.vector_load %arg11[%swap3A_507] {strides = array<i32>} : memref<4096xf32, #tpu.memory_space<vmem>>, vector<16xf32>,
        tpu.vector_store %arg11[%swap3A_507], %select_n3A_504 {strides = array<i32>} : memref<4096xf32, #tpu.memory_space<vmem>>, vector<16xf32>,
        %scan3A_509 = arith.constant 0 : i32
        %scan3A_510 = arith.constant 6 : i32
        %scan3A_511 = arith.addi %scan3A_361, %scan3A_510 : i32
        %mul3A_512 = arith.constant 16 : i32
        %mul3A_513 = arith.muli %scan3A_511, %mul3A_512 : i32
        %get3A_514 = arith.index_cast %mul3A_513 : i32 to index
        %get3A_515 = tpu.vector_load %arg9[%get3A_514] {strides = array<i32>} : memref<4096xi32, #tpu.memory_space<vmem>>, vector<16xi32>,
        %sub3A_516 = arith.constant 50048 : i32
        %sub3A_517 = vector.broadcast %sub3A_516 : i32 to vector<16xi32>
        %sub3A_518 = arith.subi %get3A_515, %sub3A_517 : vector<16xi32>
        %ge3A_519 = arith.constant 0 : i32
        %ge3A_520 = vector.broadcast %ge3A_519 : i32 to vector<16xi32>
        %ge3A_521 = arith.cmpi sge, %sub3A_518, %ge3A_520 : vector<16xi32>
        %max3A_522 = arith.constant 0 : i32
        %max3A_523 = vector.broadcast %max3A_522 : i32 to vector<16xi32>
        %max3A_524 = arith.maxsi %sub3A_518, %max3A_523 : vector<16xi32>
        %gather3A_525 = tpu.vector_load_idx %arg7[%max3A_524] : memref<50048xf32, #tpu.memory_space<vmem>>[vector<16xi32>], vector<16xf32>,
        %mul3A_526 = arith.constant 16 : i32
        %mul3A_527 = arith.muli %scan3A_511, %mul3A_526 : i32
        %get3A_528 = arith.index_cast %mul3A_527 : i32 to index
        %get3A_529 = tpu.vector_load %arg11[%get3A_528] {strides = array<i32>} : memref<4096xf32, #tpu.memory_space<vmem>>, vector<16xf32>,
        %select_n3A_530 = arith.select %ge3A_521, %gather3A_525, %get3A_529 : vector<16xi1>, vector<16xf32>
        %mul3A_531 = arith.constant 16 : i32
        %mul3A_532 = arith.muli %scan3A_511, %mul3A_531 : i32
        %swap3A_533 = arith.index_cast %mul3A_532 : i32 to index
        %swap3A_534 = tpu.vector_load %arg11[%swap3A_533] {strides = array<i32>} : memref<4096xf32, #tpu.memory_space<vmem>>, vector<16xf32>,
        tpu.vector_store %arg11[%swap3A_533], %select_n3A_530 {strides = array<i32>} : memref<4096xf32, #tpu.memory_space<vmem>>, vector<16xf32>,
        %scan3A_535 = arith.constant 0 : i32
        %scan3A_536 = arith.constant 7 : i32
        %scan3A_537 = arith.addi %scan3A_361, %scan3A_536 : i32
        %mul3A_538 = arith.constant 16 : i32
        %mul3A_539 = arith.muli %scan3A_537, %mul3A_538 : i32
        %get3A_540 = arith.index_cast %mul3A_539 : i32 to index
        %get3A_541 = tpu.vector_load %arg9[%get3A_540] {strides = array<i32>} : memref<4096xi32, #tpu.memory_space<vmem>>, vector<16xi32>,
        %sub3A_542 = arith.constant 50048 : i32
        %sub3A_543 = vector.broadcast %sub3A_542 : i32 to vector<16xi32>
        %sub3A_544 = arith.subi %get3A_541, %sub3A_543 : vector<16xi32>
        %ge3A_545 = arith.constant 0 : i32
        %ge3A_546 = vector.broadcast %ge3A_545 : i32 to vector<16xi32>
        %ge3A_547 = arith.cmpi sge, %sub3A_544, %ge3A_546 : vector<16xi32>
        %max3A_548 = arith.constant 0 : i32
        %max3A_549 = vector.broadcast %max3A_548 : i32 to vector<16xi32>
        %max3A_550 = arith.maxsi %sub3A_544, %max3A_549 : vector<16xi32>
        %gather3A_551 = tpu.vector_load_idx %arg7[%max3A_550] : memref<50048xf32, #tpu.memory_space<vmem>>[vector<16xi32>], vector<16xf32>,
        %mul3A_552 = arith.constant 16 : i32
        %mul3A_553 = arith.muli %scan3A_537, %mul3A_552 : i32
        %get3A_554 = arith.index_cast %mul3A_553 : i32 to index
        %get3A_555 = tpu.vector_load %arg11[%get3A_554] {strides = array<i32>} : memref<4096xf32, #tpu.memory_space<vmem>>, vector<16xf32>,
        %select_n3A_556 = arith.select %ge3A_547, %gather3A_551, %get3A_555 : vector<16xi1>, vector<16xf32>
        %mul3A_557 = arith.constant 16 : i32
        %mul3A_558 = arith.muli %scan3A_537, %mul3A_557 : i32
        %swap3A_559 = arith.index_cast %mul3A_558 : i32 to index
        %swap3A_560 = tpu.vector_load %arg11[%swap3A_559] {strides = array<i32>} : memref<4096xf32, #tpu.memory_space<vmem>>, vector<16xf32>,
        tpu.vector_store %arg11[%swap3A_559], %select_n3A_556 {strides = array<i32>} : memref<4096xf32, #tpu.memory_space<vmem>>, vector<16xf32>,
        %scan3A_561 = arith.constant 0 : i32
        scf.yield %scan3A_561 : i32
      }
      %scan3A_340 = arith.constant 256 : i32
      %lt3A_341 = arith.constant 12 : i32
      %lt3A_342 = arith.cmpi slt, %scan3A_96, %lt3A_341 : i32
      %convert_element_type3A_343 = arith.extui %lt3A_342 : i1 to i32
      %cond3A_344 = arith.constant 0 : i32
      %cond3A_345 = arith.cmpi ne, %convert_element_type3A_343, %cond3A_344 : i32
      scf.if %cond3A_345 {
        %add3A_361 = arith.constant 2 : i32
        %add3A_362 = arith.addi %mul3A_99, %add3A_361 : i32
        %dma_start3A_363 = arith.constant 0 : i32
        %dma_start3A_364 = tpu.memref_slice %arg7[%dma_start3A_363] : memref<50048xf32, #tpu.memory_space<vmem>> -> memref<49920xf32, #tpu.memory_space<vmem>>
        %dma_start3A_365 = arith.constant 0 : i32
        %dma_start3A_366 = arith.constant 0 : i32
        %dma_start3A_367 = tpu.memref_slice %arg2[%add3A_362, %dma_start3A_365, %dma_start3A_366] : memref<26x32x100000xf32, #tpu.memory_space<hbm>> -> memref<1x32x100000xf32, #tpu.memory_space<hbm>>
        %dma_start3A_368 = tpu.memref_squeeze %dma_start3A_367 : memref<1x32x100000xf32, #tpu.memory_space<hbm>> -> memref<32x100000xf32, #tpu.memory_space<hbm>>
        %dma_start3A_369 = arith.constant 0 : i32
        %dma_start3A_370 = tpu.memref_slice %dma_start3A_368[%add3A, %dma_start3A_369] : memref<32x100000xf32, #tpu.memory_space<hbm>> -> memref<1x100000xf32, #tpu.memory_space<hbm>>
        %dma_start3A_371 = tpu.memref_squeeze %dma_start3A_370 : memref<1x100000xf32, #tpu.memory_space<hbm>> -> memref<100000xf32, #tpu.memory_space<hbm>>
        %dma_start3A_372 = arith.constant 50048 : i32
        %dma_start3A_373 = tpu.memref_slice %dma_start3A_371[%dma_start3A_372] : memref<100000xf32, #tpu.memory_space<hbm>> -> memref<49920xf32, #tpu.memory_space<hbm>>
        %dma_start3A_374 = arith.constant 0 : i32
        %dma_start3A_375 = tpu.memref_slice %arg7[%dma_start3A_374] : memref<50048xf32, #tpu.memory_space<vmem>> -> memref<49920xf32, #tpu.memory_space<vmem>>
        %dma_start3A_376 = arith.constant 0 : i32
        %dma_start3A_377 = arith.constant 0 : i32
        %dma_start3A_378 = tpu.memref_slice %arg2[%add3A_362, %dma_start3A_376, %dma_start3A_377] : memref<26x32x100000xf32, #tpu.memory_space<hbm>> -> memref<1x32x100000xf32, #tpu.memory_space<hbm>>
        %dma_start3A_379 = tpu.memref_squeeze %dma_start3A_378 : memref<1x32x100000xf32, #tpu.memory_space<hbm>> -> memref<32x100000xf32, #tpu.memory_space<hbm>>
        %dma_start3A_380 = arith.constant 0 : i32
        %dma_start3A_381 = tpu.memref_slice %dma_start3A_379[%add3A, %dma_start3A_380] : memref<32x100000xf32, #tpu.memory_space<hbm>> -> memref<1x100000xf32, #tpu.memory_space<hbm>>
        %dma_start3A_382 = tpu.memref_squeeze %dma_start3A_381 : memref<1x100000xf32, #tpu.memory_space<hbm>> -> memref<100000xf32, #tpu.memory_space<hbm>>
        %dma_start3A_383 = arith.constant 50048 : i32
        %dma_start3A_384 = tpu.memref_slice %dma_start3A_382[%dma_start3A_383] : memref<100000xf32, #tpu.memory_space<hbm>> -> memref<49920xf32, #tpu.memory_space<hbm>>
        tpu.enqueue_dma source(%dma_start3A_384 : memref<49920xf32, #tpu.memory_space<hbm>>) target(%dma_start3A_375 : memref<49920xf32, #tpu.memory_space<vmem>>) target_semaphore(%arg13 : memref<!tpu.dma_semaphore, #tpu.memory_space<semaphore_mem>>)
        %add3A_385 = arith.constant 2 : i32
        %add3A_386 = arith.addi %mul3A_99, %add3A_385 : i32
        %dma_start3A_387 = arith.constant 49920 : i32
        %dma_start3A_388 = tpu.memref_slice %arg7[%dma_start3A_387] : memref<50048xf32, #tpu.memory_space<vmem>> -> memref<128xf32, #tpu.memory_space<vmem>>
        %dma_start3A_389 = arith.constant 0 : i32
        %dma_start3A_390 = arith.constant 0 : i32
        %dma_start3A_391 = tpu.memref_slice %arg3[%add3A_386, %dma_start3A_389, %dma_start3A_390] : memref<26x32x128xf32, #tpu.memory_space<hbm>> -> memref<1x32x128xf32, #tpu.memory_space<hbm>>
        %dma_start3A_392 = tpu.memref_squeeze %dma_start3A_391 : memref<1x32x128xf32, #tpu.memory_space<hbm>> -> memref<32x128xf32, #tpu.memory_space<hbm>>
        %dma_start3A_393 = arith.constant 0 : i32
        %dma_start3A_394 = tpu.memref_slice %dma_start3A_392[%add3A, %dma_start3A_393] : memref<32x128xf32, #tpu.memory_space<hbm>> -> memref<1x128xf32, #tpu.memory_space<hbm>>
        %dma_start3A_395 = tpu.memref_squeeze %dma_start3A_394 : memref<1x128xf32, #tpu.memory_space<hbm>> -> memref<128xf32, #tpu.memory_space<hbm>>
        %dma_start3A_396 = arith.constant 49920 : i32
        %dma_start3A_397 = tpu.memref_slice %arg7[%dma_start3A_396] : memref<50048xf32, #tpu.memory_space<vmem>> -> memref<128xf32, #tpu.memory_space<vmem>>
        %dma_start3A_398 = arith.constant 0 : i32
        %dma_start3A_399 = arith.constant 0 : i32
        %dma_start3A_400 = tpu.memref_slice %arg3[%add3A_386, %dma_start3A_398, %dma_start3A_399] : memref<26x32x128xf32, #tpu.memory_space<hbm>> -> memref<1x32x128xf32, #tpu.memory_space<hbm>>
        %dma_start3A_401 = tpu.memref_squeeze %dma_start3A_400 : memref<1x32x128xf32, #tpu.memory_space<hbm>> -> memref<32x128xf32, #tpu.memory_space<hbm>>
        %dma_start3A_402 = arith.constant 0 : i32
        %dma_start3A_403 = tpu.memref_slice %dma_start3A_401[%add3A, %dma_start3A_402] : memref<32x128xf32, #tpu.memory_space<hbm>> -> memref<1x128xf32, #tpu.memory_space<hbm>>
        %dma_start3A_404 = tpu.memref_squeeze %dma_start3A_403 : memref<1x128xf32, #tpu.memory_space<hbm>> -> memref<128xf32, #tpu.memory_space<hbm>>
        tpu.enqueue_dma source(%dma_start3A_404 : memref<128xf32, #tpu.memory_space<hbm>>) target(%dma_start3A_397 : memref<128xf32, #tpu.memory_space<vmem>>) target_semaphore(%arg13 : memref<!tpu.dma_semaphore, #tpu.memory_space<semaphore_mem>>)
      } else {
      }
      %mul3A_346 = arith.constant 32 : i32
      %mul3A_347 = arith.muli %add3A_101, %mul3A_346 : i32
      %add3A_348 = arith.addi %mul3A_347, %add3A : i32
      %dma_start3A_349 = arith.constant 0 : i32
      %dma_start3A_350 = tpu.memref_slice %arg5[%add3A_348, %dma_start3A_349] : memref<832x4096xf32, #tpu.memory_space<hbm>> -> memref<1x4096xf32, #tpu.memory_space<hbm>>
      %dma_start3A_351 = tpu.memref_squeeze %dma_start3A_350 : memref<1x4096xf32, #tpu.memory_space<hbm>> -> memref<4096xf32, #tpu.memory_space<hbm>>
      %dma_start3A_352 = arith.constant 0 : i32
      %dma_start3A_353 = tpu.memref_slice %arg5[%add3A_348, %dma_start3A_352] : memref<832x4096xf32, #tpu.memory_space<hbm>> -> memref<1x4096xf32, #tpu.memory_space<hbm>>
      %dma_start3A_354 = tpu.memref_squeeze %dma_start3A_353 : memref<1x4096xf32, #tpu.memory_space<hbm>> -> memref<4096xf32, #tpu.memory_space<hbm>>
      tpu.enqueue_dma source(%arg11 : memref<4096xf32, #tpu.memory_space<vmem>>) target(%dma_start3A_354 : memref<4096xf32, #tpu.memory_space<hbm>>) target_semaphore(%arg17 : memref<!tpu.dma_semaphore, #tpu.memory_space<semaphore_mem>>)
      %lt3A_355 = arith.constant 12 : i32
      %lt3A_356 = arith.cmpi slt, %scan3A_96, %lt3A_355 : i32
      %convert_element_type3A_357 = arith.extui %lt3A_356 : i1 to i32
      %cond3A_358 = arith.constant 0 : i32
      %cond3A_359 = arith.cmpi ne, %convert_element_type3A_357, %cond3A_358 : i32
      scf.if %cond3A_359 {
        %add3A_361 = arith.constant 2 : i32
        %add3A_362 = arith.addi %add3A_101, %add3A_361 : i32
        %dma_start3A_363 = arith.constant 0 : i32
        %dma_start3A_364 = tpu.memref_slice %arg4[%add3A_362, %dma_start3A_363] : memref<26x4096xi32, #tpu.memory_space<hbm>> -> memref<1x4096xi32, #tpu.memory_space<hbm>>
        %dma_start3A_365 = tpu.memref_squeeze %dma_start3A_364 : memref<1x4096xi32, #tpu.memory_space<hbm>> -> memref<4096xi32, #tpu.memory_space<hbm>>
        %dma_start3A_366 = arith.constant 0 : i32
        %dma_start3A_367 = tpu.memref_slice %arg4[%add3A_362, %dma_start3A_366] : memref<26x4096xi32, #tpu.memory_space<hbm>> -> memref<1x4096xi32, #tpu.memory_space<hbm>>
        %dma_start3A_368 = tpu.memref_squeeze %dma_start3A_367 : memref<1x4096xi32, #tpu.memory_space<hbm>> -> memref<4096xi32, #tpu.memory_space<hbm>>
        tpu.enqueue_dma source(%dma_start3A_368 : memref<4096xi32, #tpu.memory_space<hbm>>) target(%arg9 : memref<4096xi32, #tpu.memory_space<vmem>>) target_semaphore(%arg15 : memref<!tpu.dma_semaphore, #tpu.memory_space<semaphore_mem>>)
      } else {
      }
      %scan3A_360 = arith.constant 0 : i32
      scf.yield %scan3A_360 : i32
    }
    %scan3A_80 = arith.constant 13 : i32
    %add3A_81 = arith.constant 768 : i32
    %add3A_82 = arith.addi %add3A_81, %add3A : i32
    %dma_wait3A = arith.constant 0 : i32
    %dma_wait3A_83 = tpu.memref_slice %arg5[%add3A_82, %dma_wait3A] : memref<832x4096xf32, #tpu.memory_space<hbm>> -> memref<1x4096xf32, #tpu.memory_space<hbm>>
    %dma_wait3A_84 = tpu.memref_squeeze %dma_wait3A_83 : memref<1x4096xf32, #tpu.memory_space<hbm>> -> memref<4096xf32, #tpu.memory_space<hbm>>
    %dma_wait3A_85 = arith.constant 0 : i32
    %dma_wait3A_86 = tpu.memref_slice %arg5[%add3A_82, %dma_wait3A_85] : memref<832x4096xf32, #tpu.memory_space<hbm>> -> memref<1x4096xf32, #tpu.memory_space<hbm>>
    %dma_wait3A_87 = tpu.memref_squeeze %dma_wait3A_86 : memref<1x4096xf32, #tpu.memory_space<hbm>> -> memref<4096xf32, #tpu.memory_space<hbm>>
    tpu.wait_dma2 semaphore(%arg16 : memref<!tpu.dma_semaphore, #tpu.memory_space<semaphore_mem>>) src(%arg10 : memref<4096xf32, #tpu.memory_space<vmem>>) dst(%dma_wait3A_87 : memref<4096xf32, #tpu.memory_space<hbm>>)
    %add3A_88 = arith.constant 800 : i32
    %add3A_89 = arith.addi %add3A_88, %add3A : i32
    %dma_wait3A_90 = arith.constant 0 : i32
    %dma_wait3A_91 = tpu.memref_slice %arg5[%add3A_89, %dma_wait3A_90] : memref<832x4096xf32, #tpu.memory_space<hbm>> -> memref<1x4096xf32, #tpu.memory_space<hbm>>
    %dma_wait3A_92 = tpu.memref_squeeze %dma_wait3A_91 : memref<1x4096xf32, #tpu.memory_space<hbm>> -> memref<4096xf32, #tpu.memory_space<hbm>>
    %dma_wait3A_93 = arith.constant 0 : i32
    %dma_wait3A_94 = tpu.memref_slice %arg5[%add3A_89, %dma_wait3A_93] : memref<832x4096xf32, #tpu.memory_space<hbm>> -> memref<1x4096xf32, #tpu.memory_space<hbm>>
    %dma_wait3A_95 = tpu.memref_squeeze %dma_wait3A_94 : memref<1x4096xf32, #tpu.memory_space<hbm>> -> memref<4096xf32, #tpu.memory_space<hbm>>
    tpu.wait_dma2 semaphore(%arg17 : memref<!tpu.dma_semaphore, #tpu.memory_space<semaphore_mem>>) src(%arg11 : memref<4096xf32, #tpu.memory_space<vmem>>) dst(%dma_wait3A_95 : memref<4096xf32, #tpu.memory_space<hbm>>)
    return
  }
}

module attributes {stable_mosaic.version = 14 : i64} {
  func.func @_mlp_body(%arg0: i32, %arg1: memref<832x512xf32, #tpu.memory_space<vmem>>, %arg2: memref<13x512xbf16, #tpu.memory_space<vmem>>, %arg3: memref<512x832xbf16, #tpu.memory_space<vmem>>, %arg4: memref<512x13xbf16, #tpu.memory_space<vmem>>, %arg5: memref<512x1xf32, #tpu.memory_space<vmem>>, %arg6: memref<256x512xbf16, #tpu.memory_space<vmem>>, %arg7: memref<256x1xf32, #tpu.memory_space<vmem>>, %arg8: memref<128x256xbf16, #tpu.memory_space<vmem>>, %arg9: memref<128x1xf32, #tpu.memory_space<vmem>>, %arg10: memref<1x128xbf16, #tpu.memory_space<vmem>>, %arg11: memref<1x1xf32, #tpu.memory_space<vmem>>, %arg12: memref<1x512xf32, #tpu.memory_space<vmem>>) attributes {dimension_semantics = [#tpu.dimension_semantics<arbitrary>], iteration_bounds = array<i64: 8>, scalar_prefetch = 0 : i64, scratch_operands = 0 : i64, tpu.core_type = #tpu.core_type<tc>, window_params = [{transform_indices = @transform_0, window_bounds = array<i64: 832, 512>}, {transform_indices = @transform_1, window_bounds = array<i64: 13, 512>}, {pipeline_mode = #tpu.pipeline_mode<synchronous>, transform_indices = @transform_2, window_bounds = array<i64: 512, 832>}, {pipeline_mode = #tpu.pipeline_mode<synchronous>, transform_indices = @transform_3, window_bounds = array<i64: 512, 13>}, {pipeline_mode = #tpu.pipeline_mode<synchronous>, transform_indices = @transform_4, window_bounds = array<i64: 512, 1>}, {pipeline_mode = #tpu.pipeline_mode<synchronous>, transform_indices = @transform_5, window_bounds = array<i64: 256, 512>}, {pipeline_mode = #tpu.pipeline_mode<synchronous>, transform_indices = @transform_6, window_bounds = array<i64: 256, 1>}, {pipeline_mode = #tpu.pipeline_mode<synchronous>, transform_indices = @transform_7, window_bounds = array<i64: 128, 256>}, {pipeline_mode = #tpu.pipeline_mode<synchronous>, transform_indices = @transform_8, window_bounds = array<i64: 128, 1>}, {pipeline_mode = #tpu.pipeline_mode<synchronous>, transform_indices = @transform_9, window_bounds = array<i64: 1, 128>}, {pipeline_mode = #tpu.pipeline_mode<synchronous>, transform_indices = @transform_10, window_bounds = array<i64: 1, 1>}, {transform_indices = @transform_11, window_bounds = array<i64: 1, 512>}]} {
    %get3A = arith.constant 0 : index
    %get3A_0 = arith.constant 0 : index
    %get3A_1 = vector.load %arg3[%get3A, %get3A_0] : memref<512x832xbf16, #tpu.memory_space<vmem>>, vector<512x832xbf16>
    %get3A_2 = arith.constant 0 : index
    %get3A_3 = arith.constant 0 : index
    %get3A_4 = vector.load %arg1[%get3A_2, %get3A_3] : memref<832x512xf32, #tpu.memory_space<vmem>>, vector<832x512xf32>
    %convert_element_type3A = arith.truncf %get3A_4 : vector<832x512xf32> to vector<832x512xbf16>
    %dot_general3A = arith.constant dense<0.000000e+00> : vector<512x512xf32>
    %dot_general3A_5 = tpu.matmul %get3A_1, %convert_element_type3A, %dot_general3A {dimension_numbers = #tpu.dot_dimension_numbers<[1], [0], [0], [1], [0, 0, 1, 1], [], []>, transpose_lhs_hint = false} : vector<512x832xbf16>, vector<832x512xbf16>, vector<512x512xf32> -> vector<512x512xf32>
    %get3A_6 = arith.constant 0 : index
    %get3A_7 = arith.constant 0 : index
    %get3A_8 = vector.load %arg4[%get3A_6, %get3A_7] : memref<512x13xbf16, #tpu.memory_space<vmem>>, vector<512x13xbf16>
    %get3A_9 = arith.constant 0 : index
    %get3A_10 = arith.constant 0 : index
    %get3A_11 = vector.load %arg2[%get3A_9, %get3A_10] : memref<13x512xbf16, #tpu.memory_space<vmem>>, vector<13x512xbf16>
    %dot_general3A_12 = arith.constant dense<0.000000e+00> : vector<512x512xf32>
    %dot_general3A_13 = tpu.matmul %get3A_8, %get3A_11, %dot_general3A_12 {dimension_numbers = #tpu.dot_dimension_numbers<[1], [0], [0], [1], [0, 0, 1, 1], [], []>, transpose_lhs_hint = false} : vector<512x13xbf16>, vector<13x512xbf16>, vector<512x512xf32> -> vector<512x512xf32>
    %add3A = arith.addf %dot_general3A_5, %dot_general3A_13 : vector<512x512xf32>
    %get3A_14 = arith.constant 0 : index
    %get3A_15 = arith.constant 0 : index
    %get3A_16 = vector.load %arg5[%get3A_14, %get3A_15] : memref<512x1xf32, #tpu.memory_space<vmem>>, vector<512x1xf32>
    %add3A_17 = vector.broadcast %get3A_16 : vector<512x1xf32> to vector<512x512xf32>
    %add3A_18 = arith.addf %add3A, %add3A_17 : vector<512x512xf32>
    %max3A = arith.constant 0.000000e+00 : f32
    %max3A_19 = vector.broadcast %max3A : f32 to vector<512x512xf32>
    %max3A_20 = arith.maximumf %add3A_18, %max3A_19 : vector<512x512xf32>
    %get3A_21 = arith.constant 0 : index
    %get3A_22 = arith.constant 0 : index
    %get3A_23 = vector.load %arg6[%get3A_21, %get3A_22] : memref<256x512xbf16, #tpu.memory_space<vmem>>, vector<256x512xbf16>
    %convert_element_type3A_24 = arith.truncf %max3A_20 : vector<512x512xf32> to vector<512x512xbf16>
    %dot_general3A_25 = arith.constant dense<0.000000e+00> : vector<256x512xf32>
    %dot_general3A_26 = tpu.matmul %get3A_23, %convert_element_type3A_24, %dot_general3A_25 {dimension_numbers = #tpu.dot_dimension_numbers<[1], [0], [0], [1], [0, 0, 1, 1], [], []>, transpose_lhs_hint = false} : vector<256x512xbf16>, vector<512x512xbf16>, vector<256x512xf32> -> vector<256x512xf32>
    %get3A_27 = arith.constant 0 : index
    %get3A_28 = arith.constant 0 : index
    %get3A_29 = vector.load %arg7[%get3A_27, %get3A_28] : memref<256x1xf32, #tpu.memory_space<vmem>>, vector<256x1xf32>
    %add3A_30 = vector.broadcast %get3A_29 : vector<256x1xf32> to vector<256x512xf32>
    %add3A_31 = arith.addf %dot_general3A_26, %add3A_30 : vector<256x512xf32>
    %max3A_32 = arith.constant 0.000000e+00 : f32
    %max3A_33 = vector.broadcast %max3A_32 : f32 to vector<256x512xf32>
    %max3A_34 = arith.maximumf %add3A_31, %max3A_33 : vector<256x512xf32>
    %get3A_35 = arith.constant 0 : index
    %get3A_36 = arith.constant 0 : index
    %get3A_37 = vector.load %arg8[%get3A_35, %get3A_36] : memref<128x256xbf16, #tpu.memory_space<vmem>>, vector<128x256xbf16>
    %convert_element_type3A_38 = arith.truncf %max3A_34 : vector<256x512xf32> to vector<256x512xbf16>
    %dot_general3A_39 = arith.constant dense<0.000000e+00> : vector<128x512xf32>
    %dot_general3A_40 = tpu.matmul %get3A_37, %convert_element_type3A_38, %dot_general3A_39 {dimension_numbers = #tpu.dot_dimension_numbers<[1], [0], [0], [1], [0, 0, 1, 1], [], []>, transpose_lhs_hint = false} : vector<128x256xbf16>, vector<256x512xbf16>, vector<128x512xf32> -> vector<128x512xf32>
    %get3A_41 = arith.constant 0 : index
    %get3A_42 = arith.constant 0 : index
    %get3A_43 = vector.load %arg9[%get3A_41, %get3A_42] : memref<128x1xf32, #tpu.memory_space<vmem>>, vector<128x1xf32>
    %add3A_44 = vector.broadcast %get3A_43 : vector<128x1xf32> to vector<128x512xf32>
    %add3A_45 = arith.addf %dot_general3A_40, %add3A_44 : vector<128x512xf32>
    %max3A_46 = arith.constant 0.000000e+00 : f32
    %max3A_47 = vector.broadcast %max3A_46 : f32 to vector<128x512xf32>
    %max3A_48 = arith.maximumf %add3A_45, %max3A_47 : vector<128x512xf32>
    %get3A_49 = arith.constant 0 : index
    %get3A_50 = arith.constant 0 : index
    %get3A_51 = vector.load %arg10[%get3A_49, %get3A_50] : memref<1x128xbf16, #tpu.memory_space<vmem>>, vector<1x128xbf16>
    %convert_element_type3A_52 = arith.truncf %max3A_48 : vector<128x512xf32> to vector<128x512xbf16>
    %dot_general3A_53 = arith.constant dense<0.000000e+00> : vector<1x512xf32>
    %dot_general3A_54 = tpu.matmul %get3A_51, %convert_element_type3A_52, %dot_general3A_53 {dimension_numbers = #tpu.dot_dimension_numbers<[1], [0], [0], [1], [0, 0, 1, 1], [], []>, transpose_lhs_hint = false} : vector<1x128xbf16>, vector<128x512xbf16>, vector<1x512xf32> -> vector<1x512xf32>
    %get3A_55 = arith.constant 0 : index
    %get3A_56 = arith.constant 0 : index
    %get3A_57 = vector.load %arg11[%get3A_55, %get3A_56] : memref<1x1xf32, #tpu.memory_space<vmem>>, vector<1x1xf32>
    %add3A_58 = vector.broadcast %get3A_57 : vector<1x1xf32> to vector<1x512xf32>
    %add3A_59 = arith.addf %dot_general3A_54, %add3A_58 : vector<1x512xf32>
    %swap3A = arith.constant 0 : index
    %swap3A_60 = arith.constant 0 : index
    %swap3A_61 = vector.load %arg12[%swap3A, %swap3A_60] : memref<1x512xf32, #tpu.memory_space<vmem>>, vector<1x512xf32>
    tpu.vector_store %arg12[%swap3A, %swap3A_60], %add3A_59 {strides = array<i32>} : memref<1x512xf32, #tpu.memory_space<vmem>>, vector<1x512xf32>,
    return
  }
  func.func @transform_0(%arg0: i32) -> (i32, i32) {
    %c0_i32 = arith.constant 0 : i32
    %c0_i32_0 = arith.constant 0 : i32
    return %c0_i32, %arg0 : i32, i32
  }
  func.func @transform_1(%arg0: i32) -> (i32, i32) {
    %c0_i32 = arith.constant 0 : i32
    %c0_i32_0 = arith.constant 0 : i32
    return %c0_i32, %arg0 : i32, i32
  }
  func.func @transform_2(%arg0: i32) -> (i32, i32) {
    %c0_i32 = arith.constant 0 : i32
    %c0_i32_0 = arith.constant 0 : i32
    %c0_i32_1 = arith.constant 0 : i32
    return %c0_i32, %c0_i32_0 : i32, i32
  }
  func.func @transform_3(%arg0: i32) -> (i32, i32) {
    %c0_i32 = arith.constant 0 : i32
    %c0_i32_0 = arith.constant 0 : i32
    %c0_i32_1 = arith.constant 0 : i32
    return %c0_i32, %c0_i32_0 : i32, i32
  }
  func.func @transform_4(%arg0: i32) -> (i32, i32) {
    %c0_i32 = arith.constant 0 : i32
    %c0_i32_0 = arith.constant 0 : i32
    %c0_i32_1 = arith.constant 0 : i32
    return %c0_i32, %c0_i32_0 : i32, i32
  }
  func.func @transform_5(%arg0: i32) -> (i32, i32) {
    %c0_i32 = arith.constant 0 : i32
    %c0_i32_0 = arith.constant 0 : i32
    %c0_i32_1 = arith.constant 0 : i32
    return %c0_i32, %c0_i32_0 : i32, i32
  }
  func.func @transform_6(%arg0: i32) -> (i32, i32) {
    %c0_i32 = arith.constant 0 : i32
    %c0_i32_0 = arith.constant 0 : i32
    %c0_i32_1 = arith.constant 0 : i32
    return %c0_i32, %c0_i32_0 : i32, i32
  }
  func.func @transform_7(%arg0: i32) -> (i32, i32) {
    %c0_i32 = arith.constant 0 : i32
    %c0_i32_0 = arith.constant 0 : i32
    %c0_i32_1 = arith.constant 0 : i32
    return %c0_i32, %c0_i32_0 : i32, i32
  }
  func.func @transform_8(%arg0: i32) -> (i32, i32) {
    %c0_i32 = arith.constant 0 : i32
    %c0_i32_0 = arith.constant 0 : i32
    %c0_i32_1 = arith.constant 0 : i32
    return %c0_i32, %c0_i32_0 : i32, i32
  }
  func.func @transform_9(%arg0: i32) -> (i32, i32) {
    %c0_i32 = arith.constant 0 : i32
    %c0_i32_0 = arith.constant 0 : i32
    %c0_i32_1 = arith.constant 0 : i32
    return %c0_i32, %c0_i32_0 : i32, i32
  }
  func.func @transform_10(%arg0: i32) -> (i32, i32) {
    %c0_i32 = arith.constant 0 : i32
    %c0_i32_0 = arith.constant 0 : i32
    %c0_i32_1 = arith.constant 0 : i32
    return %c0_i32, %c0_i32_0 : i32, i32
  }
  func.func @transform_11(%arg0: i32) -> (i32, i32) {
    %c0_i32 = arith.constant 0 : i32
    %c0_i32_0 = arith.constant 0 : i32
    return %c0_i32, %arg0 : i32, i32
  }
}

</mosaic_0001>

<sc_bundles>
// kernel: kernel.4.cloned.1.call-start
scs
__scs_entry_jumppad:
0x0: {  	(pc) =	sbr.rel $0x88, $3  }
0x1: {  	(tag) =	ssettag $0x0;
	lr =	simm.s32 $0x1  }
0x2: {  	[smem:$0x3F96] =	sst lr;
	_ =	strace $0xD0000000  }
0x3: {  	_ = 	snop  }
0x4: {  	_ = 	snop  }
0x5: {  	_ = 	snop  }
0x6: {  	_ = 	snop  }
0x7: {  	_ = 	snop  }
__scs_overlays_trampoline_lowered:
0x8: {  	[smem:$0x3FA5] =	sst s0  }
0x9: {  	[smem:$0x3FA6] =	sst s1  }
0xa: {  	[smem:$0x3FA7] =	sst s2  }
0xb: {  	[smem:$0x3FA8] =	sst s3  }
0xc: {  	[smem:$0x3FA9] =	sst s4  }
0xd: {  	[smem:$0x3FAA] =	sst s5  }
0xe: {  	[smem:$0x3FAB] =	sst s6  }
0xf: {  	[smem:$0x3FAC] =	sst s7  }
0x10: {  	[smem:$0x3FAD] =	sst s8  }
0x11: {  	[smem:$0x3FAE] =	sst s9;
	s0 =	simm.s32 @!p0 $0x0  }
0x12: {  	s1 =	sld [smem:$0x3F94];
	s0 =	simm.s32 @p0 $0x1  }
0x13: {  	[smem:$0x3FAF] =	sst s0;
	s0 =	simm.s32 @!p1 $0x0  }
0x14: {  	s2 =	sld [smem:$0x3F93];
	s0 =	simm.s32 @p1 $0x1  }
0x15: {  	[smem:$0x3FB0] =	sst s0;
	s0 =	simm.s32 @!p2 $0x0  }
0x16: {  	s3 =	sld [smem:$0x3FDB];
	s0 =	simm.s32 @p2 $0x1  }
0x17: {  	s4 =	simm.s32 $0x1BF5;
	[smem:$0x3FB2] =	sst s0  }
0x18: {  	s0 =	sld [smem:$0x3F95];
	_ =	swait.ge [sflag:s4], $0x0  }
0x19: {  	s7 =	sld [smem:$0x3F96]  }
0x1a: {  	s8 =	sadd.s32 $0xFFFFE003, lr  }
0x1b: {  	s9 =	sadd.s32 $0xFFFFFEF7, lr;
	s5 =	simm.s32 $0xFFFFFFFF;
	p2 =	slt.u32 s8, $0xFFFFF086  }
0x1c: {  	p1 =	slt.u32 s9, $0xF7A;
	s5 =	simm.s32 @!p2 $0x0  }
0x1d: {  	s5 =	simm.s32 @p1 $0x1;
	p0 =	seq.s32 s7, s2  }
0x1e: {  	s7 =	smul.u32 @!p0 $0xF7A, s2;
	p2 =	seq.s32 @!p0 s5, $0x0  }
0x1f: {  	s9 =	smul.u32 $0xF7A, s1;
	s8 =	simm.s32 @!p0 $0x1BF5;
	p2 =	por !p2, p0  }
0x20: {  	[sflag:s8] =	ssyncset.s32 @!p0 $0xFFFFF086;
	s6 =	sadd.s32 @!p0 s3, s7;
	s7 =	simm.s32 @!p0 $0x108  }
0x21: {  	s3 =	sadd.s32 s3, s9;
	s6 =	sadd.s32 @!p0 $0x88, s6;
	s7 =	simm.s32 @p2 $0x1082  }
0x22: {  	[simem:s7], [sflag:s8] =	dma.local @!p0 [hbm:s6], $0xF7A  }
0x23: {  	s9 =	sor.u32 $0xD0000000, s2;
	s6 =	simm.s32 $0x108;
	_ =	swait.ge @!p0 [sflag:s8], $0x0  }
0x24: {  	s3 =	sadd.s32 $0x88, s3;
	s6 =	simm.s32 @!p1 $0x1082;
	[sflag:s4] =	ssyncset.s32 $0xFFFFF086  }
0x25: {  	[simem:s6], [sflag:s4] =	dma.local [hbm:s3], $0xF7A  }
0x26: {  	[smem:$0x3F96] =	sst s1;
	(tag) =	ssettag s2;
	_ =	strace s9  }
0x27: {  	s1 =	sld [smem:$0x3FA6]  }
0x28: {  	s2 =	sld [smem:$0x3FA7]  }
0x29: {  	s4 =	sld [smem:$0x3FA9]  }
0x2a: {  	p0 =	seq.s32 s5, $0x0;
	s5 =	sld [smem:$0x3FAA]  }
0x2b: {  	s6 =	sld [smem:$0x3FAB]  }
0x2c: {  	s7 =	sld [smem:$0x3FAC]  }
0x2d: {  	s3 =	simm.s32 $0x108;
	s8 =	sld [smem:$0x3FAD]  }
0x2e: {  	s3 =	simm.s32 @!p0 $0x1082;
	s9 =	sld [smem:$0x3FAE]  }
0x2f: {  	lr =	sadd.s32 s0, s3;
	s0 =	sld [smem:$0x3FA5]  }
0x30: {  	s3 =	sld [smem:$0x3FA8]  }
0x31: {  	[smem:$0x3FB1] =	sst s10  }
0x32: {  	s10 =	sld [smem:$0x3FAF];
	_ =	sdelay $0x3  }
0x33: {  	p0 =	seq.s32 s10, $0x1;
	s10 =	sld [smem:$0x3FB1];
	_ =	sdelay $0x3  }
0x34: {  	[smem:$0x3FB1] =	sst s10  }
0x35: {  	s10 =	sld [smem:$0x3FB0];
	_ =	sdelay $0x3  }
0x36: {  	p1 =	seq.s32 s10, $0x1;
	s10 =	sld [smem:$0x3FB1];
	_ =	sdelay $0x3  }
0x37: {  	[smem:$0x3FB1] =	sst s10  }
0x38: {  	s10 =	sld [smem:$0x3FB2]  }
0x39: {  	_ = 	snop;
	(pc) =	sbr.ind lr, $3  }
0x3a: {  	_ = 	snop  }
0x3b: {  	_ = 	snop  }
0x3c: {  	p2 =	seq.s32 s10, $0x1;
	s10 =	sld [smem:$0x3FB1]  }
0x3d: {  	_ =	shalt  }
0x3e: {  	_ =	shalt  }
0x3f: {  	_ =	shalt  }
0x40: {  	_ =	shalt  }
0x41: {  	_ =	shalt  }
0x42: {  	_ =	shalt  }
0x43: {  	_ =	shalt  }
0x44: {  	_ =	shalt  }
0x45: {  	_ =	shalt  }
0x46: {  	_ =	shalt  }
0x47: {  	_ =	shalt  }
0x48: {  	_ =	shalt  }
0x49: {  	_ =	shalt  }
0x4a: {  	_ =	shalt  }
0x4b: {  	_ =	shalt  }
0x4c: {  	_ =	shalt  }
0x4d: {  	_ =	shalt  }
0x4e: {  	_ =	shalt  }
0x4f: {  	_ =	shalt  }
0x50: {  	_ =	shalt  }
0x51: {  	_ =	shalt  }
0x52: {  	_ =	shalt  }
0x53: {  	_ =	shalt  }
0x54: {  	_ =	shalt  }
0x55: {  	_ =	shalt  }
0x56: {  	_ =	shalt  }
0x57: {  	_ =	shalt  }
0x58: {  	_ =	shalt  }
0x59: {  	_ =	shalt  }
0x5a: {  	_ =	shalt  }
0x5b: {  	_ =	shalt  }
0x5c: {  	_ =	shalt  }
0x5d: {  	_ =	shalt  }
0x5e: {  	_ =	shalt  }
0x5f: {  	_ =	shalt  }
0x60: {  	_ =	shalt  }
0x61: {  	_ =	shalt  }
0x62: {  	_ =	shalt  }
0x63: {  	_ =	shalt  }
0x64: {  	_ =	shalt  }
0x65: {  	_ =	shalt  }
0x66: {  	_ =	shalt  }
0x67: {  	_ =	shalt  }
0x68: {  	_ =	shalt  }
0x69: {  	_ =	shalt  }
0x6a: {  	_ =	shalt  }
0x6b: {  	_ =	shalt  }
0x6c: {  	_ =	shalt  }
0x6d: {  	_ =	shalt  }
0x6e: {  	_ =	shalt  }
0x6f: {  	_ =	shalt  }
0x70: {  	_ =	shalt  }
0x71: {  	_ =	shalt  }
0x72: {  	_ =	shalt  }
0x73: {  	_ =	shalt  }
0x74: {  	_ =	shalt  }
0x75: {  	_ =	shalt  }
0x76: {  	_ =	shalt  }
0x77: {  	_ =	shalt  }
0x78: {  	_ =	shalt  }
0x79: {  	_ =	shalt  }
0x7a: {  	_ =	shalt  }
0x7b: {  	_ =	shalt  }
0x7c: {  	_ =	shalt  }
0x7d: {  	_ =	shalt  }
0x7e: {  	_ =	shalt  }
0x7f: {  	_ =	shalt  }
0x80: {  	_ =	shalt  }
0x81: {  	_ =	shalt  }
0x82: {  	_ =	shalt  }
0x83: {  	_ =	shalt  }
0x84: {  	_ =	shalt  }
0x85: {  	_ =	shalt  }
0x86: {  	_ =	shalt  }
0x87: {  	_ =	shalt  }
.Lfunc_end0:
.L_simem_size_0:
called_computation_lowered:
.L_overlay_start_0:
0x88: {  	s2 =	sld [smem:$0x3FD9]  }
0x89: {  	s3 =	sld [smem:$0x3FFE];
	_ =	sdelay $0x1  }
0x8a: {  	s1 =	srdreg.scid  }
0x8b: {  	s0 =	sand.u32 $0x1, s1  }
0x8c: {  	s17 =	sshll.u32 s0, $0xA;
	s2 =	sadd.s32 s3, s2  }
0x8d: {  	s2 =	sadd.s32 s2, s17  }
0x8e: {  	[smem:$0x3FBD] =	sst s2  }
0x8f: {  	_ = 	snop  }
0x90: {  	s2 =	sld [smem:$0x3FC8]  }
0x91: {  	s18 =	sld [smem:$0x3FC7];
	(tm) =	ssettm $0x1  }
0x92: {  	s4 =	sld [smem:$0x3FFB];
	_ =	sdelay $0x3  }
0x93: {  	_ =	strace s4  }
0x94: {  	s4 =	sld [smem:$0x3FFC];
	_ =	sdelay $0x3  }
0x95: {  	_ =	strace s4  }
0x96: {  	s4 =	sld [smem:$0x3FFD];
	_ =	sdelay $0x3  }
0x97: {  	_ =	strace s4  }
0x98: {  	_ =	strace $0x8FFFFFFF  }
0x99: {  	s19 =	sld [smem:$0x3FDB];
	_ =	sdelay $0x1  }
0x9a: {  	s5 =	simm.s32 $_scs_section_size  }
0x9b: {  	s6 =	simm.s32 $_size__tile_overlayer_lowered;
	s7 =	simm.s32 $_tile_overlayer_lowered  }
0x9c: {  	s22 =	simm.s32 $0x1BFF;
	s21 =	sshll.u32 s7, $0x1;
	s4 =	sadd.s32 s5, s19  }
0x9d: {  	s8 =	simm.s32 $0x0;
	s20 =	sshll.u32 s6, $0x1;
	s6 =	sadd.s32 s21, s4  }
0x9e: {  	[timem:s8], [sflag:s22] =	dma.local [hbm:s6], s20  }
0x9f: {  	_ =	swait.ge [sflag:s22], s20  }
0xa0: {  	s5 =	ssub.s32 $0x0, s20;
	[sflag:s22] =	ssyncset.done $0x0  }
0xa1: {  	[sflag:s22] =	ssyncadd.s32 s5;
	_ =	sdelay $0x1  }
0xa2: {  	s23 =	simm.s32 $0x1B8B  }
0xa3: {  	_ =	swait.ge [sflag:s23], $0x1  }
0xa4: {  	[sflag:s23] =	ssyncset.done $0x0  }
0xa5: {  	s25 =	simm.s32 $0x1B8E;
	s24 =	sld [smem:$0x3FFE];
	[sflag:s23] =	ssyncadd.s32 $0xFFFFFFFF  }
0xa6: {  	s26 =	simm.s32 $execute0_lowered;
	[smem:$0x3FD2] =	sst s25  }
0xa7: {  	s6 =	sshll.u32 s26, $0x1;
	_ =	strace $0x80000046;
	[dreg:$0x1] =	wrdreg $0xFFFFFFFF  }
0xa8: {  	s28 =	simm.s32 $_size_execute0_lowered;
	s4 =	sadd.s32 s4, s6;
	[dreg:$0x0] =	wrdreg $0x0  }
0xa9: {  	s6 =	sshll.u32 s28, $0x1;
	[dreg:$0x2] =	wrdreg s4  }
0xaa: {  	[dreg:$0x3] =	wrdreg s6  }
0xab: {  	[dreg:$0x4] =	wrdreg $0xC0  }
0xac: {  	_ =	task [dreg:s8], $0x5FFFF  }
0xad: {  	[dreg:$0x1] =	wrdreg $0xFFFFFFFF  }
0xae: {  	[dreg:$0x0] =	wrdreg $0x60  }
0xaf: {  	[dreg:$0x2] =	wrdreg s18  }
0xb0: {  	[dreg:$0x3] =	wrdreg s24  }
0xb1: {  	[dreg:$0x4] =	wrdreg s2  }
0xb2: {  	[dreg:$0x5] =	wrdreg $0x9  }
0xb3: {  	_ =	task.clear_ibuf [dreg:s8], $0x6FFFF;
	_ =	strace $0x90000046  }
0xb4: {  	s29 =	simm.s32 $0x9;
	_ =	strace $0x80000048  }
0xb5: {  	_ =	swait.ge [sflag:s29], $0x1  }
0xb6: {  	[sflag:s29] =	ssyncadd.s32 $0xFFFFFFFF  }
0xb7: {  	_ =	strace $0x90000048  }
0xb8: {  	_ =	sfence  }
0xb9: {  	s30 =	sld [smem:$0x0];
	_ =	sdelay $0x2  }
0xba: {  	s31 =	sshll.u32 s1, $0xD;
	s1 =	sshrl.u32 s1, $0x2  }
0xbb: {  	s3 =	sand.u32 $0x4000, s31;
	s1 =	sadd.s32 s1, s30  }
0xbc: {  	s0 =	sor.u32 s3, s0;
	s1 =	sshll.u32 s1, $0x11  }
0xbd: {  	s0 =	sor.u32 s1, s0  }
0xbe: {  	s0 =	sadd.s32 $0x8F2B, s0  }
0xbf: {  	[sflag:s0] =	ssyncadd.remote.s32 $0x1  }
0xc0: {  	_ =	sfence.sel $0xFFFF  }
0xc1: {  	[dreg:$0x0] =	wrdreg $0xFFFFFFFF;
	(pc) =	sbr.abs _section_cstart, $3  }
0xc2: {  	[dreg:$0x1] =	wrdreg $0xFFFFFFFF  }
0xc3: {  	_ =	task.clear_ibuf [dreg:s8], $0x2FFFF;
	_ =	strace $0x9FFFFFFF  }
0xc4: {  	(tm) =	ssettm $0x7FFFFFFF  }
0xc5: {  	_ =	shalt  }
tec
execute0_lowered:
.L_overlay_start_1:
0x0: {  	(tag) =	ssettag $0x1  }
0x1: {  	s1 =	rddreg [dreg:$0x0]  }
0x2: {  	s0 =	srdreg.scid;
	s2 =	rddreg [dreg:$0x1]  }
0x3: {  	s11 =	stileid.u32;
	s3 =	rddreg [dreg:$0x2]  }
0x4: {  	s15 =	simm.s32 $0x80;
	s16 =	simm.s32 $0x400;
	s17 =	simm.s32 $0x18700  }
0x5: {  	s18 =	simm.s32 $0x19700;
	s19 =	simm.s32 $0xC380;
	s20 =	simm.s32 $0x18680  }
0x6: {  	s21 =	simm.s32 $0x3;
	s28 =	simm.s32 $0x1B700;
	s29 =	simm.s32 $0x5  }
0x7: {  	s30 =	simm.s32 $0x0;
	s0 =	sand.u32 $0x1, s0;
	s5 =	sshll.u32 s11, $0x7  }
0x8: {  	s22 =	sadd.s32 $0x10, s3;
	s23 =	sshll.u32 s11, $0x4;
	s4 =	sshll.u32 s0, $0x4  }
0x9: {  	s9 =	sand.u32 $0x380, s5;
	s5 =	sadd.s32 $0x1600, s2;
	s0 =	ssub.s32 $0x2, s0  }
0xa: {  	s2 =	sadd.s32 $0x4A00, s2;
	s24 =	sand.u32 $0x70, s23;
	s23 =	simm.s32 $0x2  }
0xb: {  	s7 =	sor.u32 s11, s4;
	s4 =	simm.s32 $0x0;
	s10 =	sshrl.u32 s0, $0x1  }
0xc: {  	s8 =	sshrl.u32 s7, $0x3;
	[smem:$0x7FF] =	sst s4;
	s0 =	ssub.s32 s0, s10  }
0xd: {  	s7 =	sshll.u32 s7, $0x9;
	s6 =	smul.u32 $0xC3800, s8;
	_ =	strace $0x80000047  }
0xe: {  	[dreg:$0x4] =	wrdreg s22;
	s8 =	sshll.u32 s8, $0xA;
	s7 =	sand.u32 $0x3000, s7  }
0xf: {  	s14 =	smax.u32 s0, $0x1;
	s22 =	simm.s32 $0x1;
	s8 =	sor.u32 s9, s8  }
0x10: {  	s26 =	sor.u32 s7, s24;
	s6 =	sor.u32 s9, s6;
	s10 =	sshrl.u32 s8, $0x3  }
.Ltmp0:
0x11: {  	s9 =	sadd.s32 s2, s24;
	s2 =	sadd.s32 s26, s2;
	(pc) =	sbr.rel .LBB2_1-.Ltmp0, $4  }
0x12: {  	s24 =	simm.s32 $0x1A700;
	s6 =	sshrl.u32 s6, $0x3;
	s31 =	sadd.s32 s5, s10  }
0x13: {  	s26 =	simm.s32 $0x6;
	s12 =	sadd.s32 s1, s6;
	[dreg:$0x7] =	wrdreg s31  }
0x14: {  	s13 =	sadd.s32 $0x64000, s2;
	[dreg:$0x5] =	wrdreg s12;
	s25 =	sadd.s32 $0xC380, s12  }
0x15: {  	s12 =	sadd.s32 s7, s9;
	[dreg:$0x6] =	wrdreg s25;
	s25 =	simm.s32 $0x4  }
.LBB2_16:
0x16: {  	[hbm4b:s13+s15] =	stream.strided.scatter [tilespmem:s28], [sflag:$0x6], $0x1000, s16, s15, $0x38;
	[tilespmem:$0x1C700] =	vst v63  }
0x17: {  	s30 =	sadd.s32 $0x1, s30  }
0x18: {  	_ =	swait.ge [sflag:s29], $0x1000;
	p0 =	sne.s32 s30, s14  }
.Ltmp1:
0x19: {  	[sflag:s29] =	ssyncset.done $0x0;
	(pc) =	sbr.rel @!p0 .LBB2_17-.Ltmp1, $4  }
0x1a: {  	[sflag:s29] =	ssyncadd.s32 $0xFFFFF000  }
0x1b: {  	_ =	swait.ge [sflag:s26], $0x1000  }
0x1c: {  	[sflag:s26] =	ssyncset.done $0x0  }
0x1d: {  	[sflag:s26] =	ssyncadd.s32 $0xFFFFF000  }
.LBB2_1:
0x1e: {  	[tilespmem:s17], [sflag:$0x3] =	stream.strided.gather [hbm4b:s3+s15], $0x1000, s16, s15, $0x38;
	[tilespmem:$0x1C700] =	vst v63  }
0x1f: {  	s0 =	rddreg [dreg:$0x4]  }
0x20: {  	[tilespmem:s18], [sflag:$0x4] =	stream.strided.gather [hbm4b:s0+s15], $0x1000, s16, s15, $0x38;
	[tilespmem:$0x1C700] =	vst v63  }
0x21: {  	s8 =	rddreg [dreg:$0x5]  }
0x22: {  	[tilespmem:s4], [sflag:$0x1] =	stream.strided.gather [hbm4b:s8+s15], $0xC380, s16, s15, $0x38;
	[tilespmem:$0x1C700] =	vst v63  }
0x23: {  	s9 =	rddreg [dreg:$0x6]  }
0x24: {  	[tilespmem:s19], [sflag:$0x2] =	stream.strided.gather [hbm4b:s9+s15], $0xC300, s16, s15, $0x38;
	[tilespmem:$0x1C700] =	vst v63  }
0x25: {  	s11 =	rddreg [dreg:$0x7];
	s31 =	simm.s32 $0x0  }
0x26: {  	[tilespmem:s20], [sflag:$0x2] =	stream.linear.gather [hbm4b:s11+s4], $0x80, $0x38;
	[tilespmem:$0x1C700] =	vst v63  }
.LBB2_2:
0x27: {  	_ =	swait.ge [sflag:s21], $0x1000  }
0x28: {  	p0 =	seq.s32 s31, $0x0;
	[sflag:s21] =	ssyncset.done $0x0  }
0x29: {  	s0 =	simm.s32 @!p0 $0x5;
	[sflag:s21] =	ssyncadd.s32 $0xFFFFF000  }
0x2a: {  	_ =	swait.ge @!p0 [sflag:s0], $0x1000  }
0x2b: {  	[sflag:s0] =	ssyncset.done @!p0 $0x0  }
0x2c: {  	[sflag:s0] =	ssyncadd.s32 @!p0 $0xFFFFF000  }
0x2d: {  	s2 =	sshll.u32 s31, $0x1;
	_ =	swait.ge [sflag:s22], $0xC380  }
0x2e: {  	s7 =	simm.s32 $0xFFFFFFF8;
	s8 =	simm.s32 $0x18740;
	[sflag:s22] =	ssyncset.done $0x0  }
0x2f: {  	s9 =	simm.s32 $0x1A740;
	s0 =	sshllo.u32 s31, $0x1;
	[sflag:s22] =	ssyncadd.s32 $0xFFFF3C80  }
.LBB2_3:
0x30: {  	v0 =	vld [tilespmem:s8+$0xFFFFFFC0];
	_ =	sdelay $0x4  }
0x31: {  	vm0 =	vlt.s32 v0, $0xC37F  }
0x32: {  	v1 =	vnsel vm0, $0xC37F, v0;
	_ =	sdelay $0x4  }
0x33: {  	v1 =	vld.idx.msk [tilespmem:v1+s4+$0x0], $0xffff;
	_ =	sdelay $0x3  }
0x34: {  	vm13 =	vlt.s32 v0, $0xC380  }
0x35: {  	v0 =	vnsel vm13, $0x0, v1  }
0x36: {  	[tilespmem:s9+$0xFFFFFFC0] =	vst v0  }
0x37: {  	v0 =	vld [tilespmem:s8+$0xFFFFFFD0];
	_ =	sdelay $0x4  }
0x38: {  	vm14 =	vlt.s32 v0, $0xC37F  }
0x39: {  	v57 =	vnsel vm14, $0xC37F, v0;
	_ =	sdelay $0x4  }
0x3a: {  	v1 =	vld.idx.msk [tilespmem:v57+s4+$0x0], $0xffff;
	_ =	sdelay $0x3  }
0x3b: {  	vm15 =	vlt.s32 v0, $0xC380  }
0x3c: {  	v0 =	vnsel vm15, $0x0, v1  }
0x3d: {  	[tilespmem:s9+$0xFFFFFFD0] =	vst v0  }
0x3e: {  	v0 =	vld [tilespmem:s8+$0xFFFFFFE0];
	_ =	sdelay $0x4  }
0x3f: {  	vm4 =	vlt.s32 v0, $0xC37F  }
0x40: {  	v58 =	vnsel vm4, $0xC37F, v0;
	_ =	sdelay $0x4  }
0x41: {  	v1 =	vld.idx.msk [tilespmem:v58+s4+$0x0], $0xffff;
	_ =	sdelay $0x3  }
0x42: {  	vm5 =	vlt.s32 v0, $0xC380  }
0x43: {  	v0 =	vnsel vm5, $0x0, v1  }
0x44: {  	[tilespmem:s9+$0xFFFFFFE0] =	vst v0  }
0x45: {  	v0 =	vld [tilespmem:s8+$0xFFFFFFF0];
	_ =	sdelay $0x4  }
0x46: {  	vm6 =	vlt.s32 v0, $0xC37F  }
0x47: {  	v59 =	vnsel vm6, $0xC37F, v0;
	_ =	sdelay $0x4  }
0x48: {  	v1 =	vld.idx.msk [tilespmem:v59+s4+$0x0], $0xffff;
	_ =	sdelay $0x3  }
0x49: {  	vm7 =	vlt.s32 v0, $0xC380  }
0x4a: {  	v0 =	vnsel vm7, $0x0, v1  }
0x4b: {  	[tilespmem:s9+$0xFFFFFFF0] =	vst v0  }
0x4c: {  	v0 =	vld [tilespmem:s8+$0x0];
	_ =	sdelay $0x4  }
0x4d: {  	vm8 =	vlt.s32 v0, $0xC37F  }
0x4e: {  	v60 =	vnsel vm8, $0xC37F, v0;
	_ =	sdelay $0x4  }
0x4f: {  	v1 =	vld.idx.msk [tilespmem:v60+s4+$0x0], $0xffff;
	_ =	sdelay $0x3  }
0x50: {  	vm9 =	vlt.s32 v0, $0xC380  }
0x51: {  	v0 =	vnsel vm9, $0x0, v1  }
0x52: {  	[tilespmem:s9+$0x0] =	vst v0  }
0x53: {  	v0 =	vld [tilespmem:s8+$0x10];
	_ =	sdelay $0x4  }
0x54: {  	vm10 =	vlt.s32 v0, $0xC37F  }
0x55: {  	v61 =	vnsel vm10, $0xC37F, v0;
	_ =	sdelay $0x4  }
0x56: {  	v1 =	vld.idx.msk [tilespmem:v61+s4+$0x0], $0xffff;
	_ =	sdelay $0x3  }
0x57: {  	vm11 =	vlt.s32 v0, $0xC380  }
0x58: {  	v0 =	vnsel vm11, $0x0, v1  }
0x59: {  	[tilespmem:s9+$0x10] =	vst v0  }
0x5a: {  	v0 =	vld [tilespmem:s8+$0x20];
	_ =	sdelay $0x4  }
0x5b: {  	vm12 =	vlt.s32 v0, $0xC37F  }
0x5c: {  	v62 =	vnsel vm12, $0xC37F, v0;
	_ =	sdelay $0x4  }
0x5d: {  	v1 =	vld.idx.msk [tilespmem:v62+s4+$0x0], $0xffff;
	_ =	sdelay $0x3  }
0x5e: {  	vm13 =	vlt.s32 v0, $0xC380  }
0x5f: {  	v0 =	vnsel vm13, $0x0, v1  }
0x60: {  	[tilespmem:s9+$0x20] =	vst v0  }
0x61: {  	v0 =	vld [tilespmem:s8+$0x30];
	_ =	sdelay $0x4  }
0x62: {  	vm14 =	vlt.s32 v0, $0xC37F  }
0x63: {  	v63 =	vnsel vm14, $0xC37F, v0;
	_ =	sdelay $0x4  }
0x64: {  	s7 =	sadd.s32 $0x8, s7;
	v1 =	vld.idx.msk [tilespmem:v63+s4+$0x0], $0xffff  }
0x65: {  	p1 =	slt.u32 s7, $0xF8  }
.Ltmp2:
0x66: {  	_ = 	snop;
	(pc) =	sbr.rel @p1 .LBB2_3-.Ltmp2, $4  }
0x67: {  	_ = 	snop  }
0x68: {  	vm15 =	vlt.s32 v0, $0xC380  }
0x69: {  	v0 =	vnsel vm15, $0x0, v1  }
0x6a: {  	s8 =	sadd.s32 $0x80, s8;
	[tilespmem:s9+$0x30] =	vst v0;
	s9 =	sadd.s32 $0x80, s9  }
0x6b: {  	s7 =	smul.u32 $0x61C00, s0;
	_ =	sdelay $0x1  }
0x6c: {  	s7 =	sadd.s32 s1, s7  }
0x6d: {  	s7 =	sadd.s32 s6, s7  }
0x6e: {  	[tilespmem:s4], [sflag:$0x1] =	stream.strided.gather [hbm4b:s7+s15], $0xC380, s16, s15, $0x38;
	[tilespmem:$0x1C700] =	vst v63  }
0x6f: {  	_ =	swait.ge [sflag:s23], $0xC300  }
0x70: {  	[sflag:s23] =	ssyncset.done $0x0  }
0x71: {  	[sflag:s23] =	ssyncadd.s32 $0xFFFF3D00  }
0x72: {  	_ =	swait.ge [sflag:s23], $0x80  }
0x73: {  	s9 =	simm.s32 $0xFFFFFFF8;
	[sflag:s23] =	ssyncset.done $0x0  }
0x74: {  	s11 =	simm.s32 $0x18740;
	s8 =	simm.s32 $0x1A740;
	[sflag:s23] =	ssyncadd.s32 $0xFFFFFF80  }
.LBB2_5:
0x75: {  	v0 =	vld [tilespmem:s11+$0xFFFFFFC0];
	_ =	sdelay $0x4  }
0x76: {  	v0 =	vadd.s32 $0xFFFF3C80, v0  }
0x77: {  	vm0 =	vlt.s32 v0, $0x0  }
0x78: {  	v0 =	vsel vm0, $0x0, v0;
	_ =	sdelay $0x3  }
0x79: {  	v1 =	vld [tilespmem:s8+$0xFFFFFFC0]  }
0x7a: {  	v0 =	vld.idx.msk [tilespmem:v0+s19+$0x0], $0xffff;
	_ =	sdelay $0x4  }
0x7b: {  	v0 =	vsel vm0, v1, v0  }
0x7c: {  	[tilespmem:s8+$0xFFFFFFC0] =	vst v0  }
0x7d: {  	v0 =	vld [tilespmem:s11+$0xFFFFFFD0];
	_ =	sdelay $0x4  }
0x7e: {  	v0 =	vadd.s32 $0xFFFF3C80, v0  }
0x7f: {  	vm9 =	vlt.s32 v0, $0x0  }
0x80: {  	v0 =	vsel vm9, $0x0, v0;
	_ =	sdelay $0x3  }
0x81: {  	v57 =	vld [tilespmem:s8+$0xFFFFFFD0]  }
0x82: {  	v0 =	vld.idx.msk [tilespmem:v0+s19+$0x0], $0xffff;
	_ =	sdelay $0x4  }
0x83: {  	v0 =	vsel vm9, v57, v0  }
0x84: {  	[tilespmem:s8+$0xFFFFFFD0] =	vst v0  }
0x85: {  	v0 =	vld [tilespmem:s11+$0xFFFFFFE0];
	_ =	sdelay $0x4  }
0x86: {  	v0 =	vadd.s32 $0xFFFF3C80, v0  }
0x87: {  	vm10 =	vlt.s32 v0, $0x0  }
0x88: {  	v0 =	vsel vm10, $0x0, v0;
	_ =	sdelay $0x3  }
0x89: {  	v58 =	vld [tilespmem:s8+$0xFFFFFFE0]  }
0x8a: {  	v0 =	vld.idx.msk [tilespmem:v0+s19+$0x0], $0xffff;
	_ =	sdelay $0x4  }
0x8b: {  	v0 =	vsel vm10, v58, v0  }
0x8c: {  	[tilespmem:s8+$0xFFFFFFE0] =	vst v0  }
0x8d: {  	v0 =	vld [tilespmem:s11+$0xFFFFFFF0];
	_ =	sdelay $0x4  }
0x8e: {  	v0 =	vadd.s32 $0xFFFF3C80, v0  }
0x8f: {  	vm11 =	vlt.s32 v0, $0x0  }
0x90: {  	v0 =	vsel vm11, $0x0, v0;
	_ =	sdelay $0x3  }
0x91: {  	v59 =	vld [tilespmem:s8+$0xFFFFFFF0]  }
0x92: {  	v0 =	vld.idx.msk [tilespmem:v0+s19+$0x0], $0xffff;
	_ =	sdelay $0x4  }
0x93: {  	v0 =	vsel vm11, v59, v0  }
0x94: {  	[tilespmem:s8+$0xFFFFFFF0] =	vst v0  }
0x95: {  	v0 =	vld [tilespmem:s11+$0x0];
	_ =	sdelay $0x4  }
0x96: {  	v0 =	vadd.s32 $0xFFFF3C80, v0  }
0x97: {  	vm12 =	vlt.s32 v0, $0x0  }
0x98: {  	v0 =	vsel vm12, $0x0, v0;
	_ =	sdelay $0x3  }
0x99: {  	v60 =	vld [tilespmem:s8+$0x0]  }
0x9a: {  	v0 =	vld.idx.msk [tilespmem:v0+s19+$0x0], $0xffff;
	_ =	sdelay $0x4  }
0x9b: {  	v0 =	vsel vm12, v60, v0  }
0x9c: {  	[tilespmem:s8+$0x0] =	vst v0  }
0x9d: {  	v0 =	vld [tilespmem:s11+$0x10];
	_ =	sdelay $0x4  }
0x9e: {  	v0 =	vadd.s32 $0xFFFF3C80, v0  }
0x9f: {  	vm13 =	vlt.s32 v0, $0x0  }
0xa0: {  	v0 =	vsel vm13, $0x0, v0;
	_ =	sdelay $0x3  }
0xa1: {  	v61 =	vld [tilespmem:s8+$0x10]  }
0xa2: {  	v0 =	vld.idx.msk [tilespmem:v0+s19+$0x0], $0xffff;
	_ =	sdelay $0x4  }
0xa3: {  	v0 =	vsel vm13, v61, v0  }
0xa4: {  	[tilespmem:s8+$0x10] =	vst v0  }
0xa5: {  	v0 =	vld [tilespmem:s11+$0x20];
	_ =	sdelay $0x4  }
0xa6: {  	v0 =	vadd.s32 $0xFFFF3C80, v0  }
0xa7: {  	vm14 =	vlt.s32 v0, $0x0  }
0xa8: {  	v0 =	vsel vm14, $0x0, v0;
	_ =	sdelay $0x3  }
0xa9: {  	v62 =	vld [tilespmem:s8+$0x20]  }
0xaa: {  	v0 =	vld.idx.msk [tilespmem:v0+s19+$0x0], $0xffff;
	_ =	sdelay $0x4  }
0xab: {  	v0 =	vsel vm14, v62, v0  }
0xac: {  	[tilespmem:s8+$0x20] =	vst v0  }
0xad: {  	v0 =	vld [tilespmem:s11+$0x30];
	_ =	sdelay $0x4  }
0xae: {  	v0 =	vadd.s32 $0xFFFF3C80, v0  }
0xaf: {  	vm15 =	vlt.s32 v0, $0x0  }
0xb0: {  	v0 =	vsel vm15, $0x0, v0;
	_ =	sdelay $0x3  }
0xb1: {  	v63 =	vld [tilespmem:s8+$0x30]  }
0xb2: {  	s9 =	sadd.s32 $0x8, s9;
	v0 =	vld.idx.msk [tilespmem:v0+s19+$0x0], $0xffff  }
0xb3: {  	p1 =	slt.u32 s9, $0xF8  }
.Ltmp3:
0xb4: {  	_ = 	snop;
	(pc) =	sbr.rel @p1 .LBB2_5-.Ltmp3, $3  }
0xb5: {  	_ =	sdelay $0x1  }
0xb6: {  	v0 =	vsel vm15, v63, v0  }
0xb7: {  	s11 =	sadd.s32 $0x80, s11;
	[tilespmem:s8+$0x30] =	vst v0;
	s8 =	sadd.s32 $0x80, s8  }
0xb8: {  	s7 =	sadd.s32 $0xC380, s7;
	s9 =	sshll.u32 s0, $0x9;
	p1 =	sne.s32 s31, $0xC  }
0xb9: {  	[tilespmem:s19], [sflag:$0x2] =	stream.strided.gather [hbm4b:s7+s15], $0xC300, s16, s15, $0x38;
	[tilespmem:$0x1C700] =	vst v63  }
.Ltmp4:
0xba: {  	s7 =	sadd.s32 s5, s9;
	(pc) =	sbr.rel @p1 .LBB2_8-.Ltmp4, $4  }
0xbb: {  	s11 =	sshll.u32 s31, $0xF;
	s7 =	sadd.s32 s10, s7  }
0xbc: {  	[tilespmem:s20], [sflag:$0x2] =	stream.linear.gather [hbm4b:s7+s4], $0x80, $0x38;
	[tilespmem:$0x1C700] =	vst v63  }
0xbd: {  	s7 =	sadd.s32 s11, s12  }
0xbe: {  	[hbm4b:s7+s15] =	stream.strided.scatter [tilespmem:s24], [sflag:$0x5], $0x1000, s16, s15, $0x38;
	[tilespmem:$0x1C700] =	vst v63  }
.Ltmp5:
0xbf: {  	(pc) =	sbr.rel .LBB2_9-.Ltmp5, $4  }
0xc0: {  	_ = 	snop  }
0xc1: {  	_ =	swait.ge [sflag:s25], $0x1000  }
0xc2: {  	[sflag:s25] =	ssyncset.done $0x0  }
0xc3: {  	[sflag:s25] =	ssyncadd.s32 $0xFFFFF000  }
.LBB2_8:
0xc4: {  	s7 =	sadd.s32 $0x2, s2  }
0xc5: {  	s8 =	sshll.u32 s7, $0x4  }
0xc6: {  	s7 =	sshll.u32 s7, $0x9;
	s8 =	sand.u32 $0x60, s8  }
0xc7: {  	s7 =	sand.u32 $0x7000, s7;
	s8 =	sadd.s32 s3, s8  }
.Ltmp6:
0xc8: {  	s7 =	sadd.s32 s7, s8;
	(pc) =	sbr.rel @p0 .LBB2_10-.Ltmp6, $4  }
0xc9: {  	[tilespmem:s17], [sflag:$0x3] =	stream.strided.gather [hbm4b:s7+s15], $0x1000, s16, s15, $0x38;
	[tilespmem:$0x1C700] =	vst v63  }
0xca: {  	_ =	swait.ge [sflag:s25], $0x1000  }
0xcb: {  	[sflag:s25] =	ssyncset.done $0x0  }
0xcc: {  	[sflag:s25] =	ssyncadd.s32 $0xFFFFF000  }
.LBB2_9:
0xcd: {  	_ =	swait.ge [sflag:s26], $0x1000  }
0xce: {  	[sflag:s26] =	ssyncset.done $0x0  }
0xcf: {  	[sflag:s26] =	ssyncadd.s32 $0xFFFFF000  }
.LBB2_10:
0xd0: {  	_ =	swait.ge [sflag:s22], $0xC380  }
0xd1: {  	s7 =	simm.s32 $0xFFFFFFF8;
	[sflag:s22] =	ssyncset.done $0x0  }
0xd2: {  	s8 =	simm.s32 $0x19740;
	s9 =	simm.s32 $0x1B740;
	[sflag:s22] =	ssyncadd.s32 $0xFFFF3C80  }
.LBB2_11:
0xd3: {  	v0 =	vld [tilespmem:s8+$0xFFFFFFC0];
	_ =	sdelay $0x4  }
0xd4: {  	vm0 =	vlt.s32 v0, $0xC37F  }
0xd5: {  	v1 =	vnsel vm0, $0xC37F, v0;
	_ =	sdelay $0x4  }
0xd6: {  	v1 =	vld.idx.msk [tilespmem:v1+s4+$0x0], $0xffff;
	_ =	sdelay $0x3  }
0xd7: {  	vm13 =	vlt.s32 v0, $0xC380  }
0xd8: {  	v0 =	vnsel vm13, $0x0, v1  }
0xd9: {  	[tilespmem:s9+$0xFFFFFFC0] =	vst v0  }
0xda: {  	v0 =	vld [tilespmem:s8+$0xFFFFFFD0];
	_ =	sdelay $0x4  }
0xdb: {  	vm14 =	vlt.s32 v0, $0xC37F  }
0xdc: {  	v57 =	vnsel vm14, $0xC37F, v0;
	_ =	sdelay $0x4  }
0xdd: {  	v1 =	vld.idx.msk [tilespmem:v57+s4+$0x0], $0xffff;
	_ =	sdelay $0x3  }
0xde: {  	vm15 =	vlt.s32 v0, $0xC380  }
0xdf: {  	v0 =	vnsel vm15, $0x0, v1  }
0xe0: {  	[tilespmem:s9+$0xFFFFFFD0] =	vst v0  }
0xe1: {  	v0 =	vld [tilespmem:s8+$0xFFFFFFE0];
	_ =	sdelay $0x4  }
0xe2: {  	vm4 =	vlt.s32 v0, $0xC37F  }
0xe3: {  	v58 =	vnsel vm4, $0xC37F, v0;
	_ =	sdelay $0x4  }
0xe4: {  	v1 =	vld.idx.msk [tilespmem:v58+s4+$0x0], $0xffff;
	_ =	sdelay $0x3  }
0xe5: {  	vm5 =	vlt.s32 v0, $0xC380  }
0xe6: {  	v0 =	vnsel vm5, $0x0, v1  }
0xe7: {  	[tilespmem:s9+$0xFFFFFFE0] =	vst v0  }
0xe8: {  	v0 =	vld [tilespmem:s8+$0xFFFFFFF0];
	_ =	sdelay $0x4  }
0xe9: {  	vm6 =	vlt.s32 v0, $0xC37F  }
0xea: {  	v59 =	vnsel vm6, $0xC37F, v0;
	_ =	sdelay $0x4  }
0xeb: {  	v1 =	vld.idx.msk [tilespmem:v59+s4+$0x0], $0xffff;
	_ =	sdelay $0x3  }
0xec: {  	vm7 =	vlt.s32 v0, $0xC380  }
0xed: {  	v0 =	vnsel vm7, $0x0, v1  }
0xee: {  	[tilespmem:s9+$0xFFFFFFF0] =	vst v0  }
0xef: {  	v0 =	vld [tilespmem:s8+$0x0];
	_ =	sdelay $0x4  }
0xf0: {  	vm8 =	vlt.s32 v0, $0xC37F  }
0xf1: {  	v60 =	vnsel vm8, $0xC37F, v0;
	_ =	sdelay $0x4  }
0xf2: {  	v1 =	vld.idx.msk [tilespmem:v60+s4+$0x0], $0xffff;
	_ =	sdelay $0x3  }
0xf3: {  	vm9 =	vlt.s32 v0, $0xC380  }
0xf4: {  	v0 =	vnsel vm9, $0x0, v1  }
0xf5: {  	[tilespmem:s9+$0x0] =	vst v0  }
0xf6: {  	v0 =	vld [tilespmem:s8+$0x10];
	_ =	sdelay $0x4  }
0xf7: {  	vm10 =	vlt.s32 v0, $0xC37F  }
0xf8: {  	v61 =	vnsel vm10, $0xC37F, v0;
	_ =	sdelay $0x4  }
0xf9: {  	v1 =	vld.idx.msk [tilespmem:v61+s4+$0x0], $0xffff;
	_ =	sdelay $0x3  }
0xfa: {  	vm11 =	vlt.s32 v0, $0xC380  }
0xfb: {  	v0 =	vnsel vm11, $0x0, v1  }
0xfc: {  	[tilespmem:s9+$0x10] =	vst v0  }
0xfd: {  	v0 =	vld [tilespmem:s8+$0x20];
	_ =	sdelay $0x4  }
0xfe: {  	vm12 =	vlt.s32 v0, $0xC37F  }
0xff: {  	v62 =	vnsel vm12, $0xC37F, v0;
	_ =	sdelay $0x4  }
0x100: {  	v1 =	vld.idx.msk [tilespmem:v62+s4+$0x0], $0xffff;
	_ =	sdelay $0x3  }
0x101: {  	vm13 =	vlt.s32 v0, $0xC380  }
0x102: {  	v0 =	vnsel vm13, $0x0, v1  }
0x103: {  	[tilespmem:s9+$0x20] =	vst v0  }
0x104: {  	v0 =	vld [tilespmem:s8+$0x30];
	_ =	sdelay $0x4  }
0x105: {  	vm14 =	vlt.s32 v0, $0xC37F  }
0x106: {  	v63 =	vnsel vm14, $0xC37F, v0;
	_ =	sdelay $0x4  }
0x107: {  	s7 =	sadd.s32 $0x8, s7;
	v1 =	vld.idx.msk [tilespmem:v63+s4+$0x0], $0xffff  }
0x108: {  	p0 =	slt.u32 s7, $0xF8  }
.Ltmp7:
0x109: {  	_ = 	snop;
	(pc) =	sbr.rel @p0 .LBB2_11-.Ltmp7, $4  }
0x10a: {  	_ = 	snop  }
0x10b: {  	vm15 =	vlt.s32 v0, $0xC380  }
0x10c: {  	v0 =	vnsel vm15, $0x0, v1  }
0x10d: {  	s8 =	sadd.s32 $0x80, s8;
	[tilespmem:s9+$0x30] =	vst v0;
	s9 =	sadd.s32 $0x80, s9  }
0x10e: {  	p0 =	seq.s32 s31, $0xC  }
0x10f: {  	s7 =	smul.u32 @!p0 $0x61C000, s31;
	_ =	sdelay $0x1  }
0x110: {  	s7 =	sshrl.u32 @!p0 s7, $0x3  }
0x111: {  	s7 =	sadd.s32 @!p0 s1, s7  }
0x112: {  	s8 =	simm.s32 @!p0 $0x80;
	s7 =	sadd.s32 @!p0 s6, s7  }
0x113: {  	s9 =	simm.s32 @!p0 $0x400;
	s11 =	simm.s32 @!p0 $0x0;
	s7 =	sadd.s32 @!p0 $0xC3800, s7  }
0x114: {  	[tilespmem:s11], [sflag:$0x1] =	stream.strided.gather @!p0 [hbm4b:s7+s8], $0xC380, s9, s8, $0x38;
	[tilespmem:$0x1C700] =	vst v63  }
0x115: {  	_ =	swait.ge [sflag:s23], $0xC300  }
0x116: {  	[sflag:s23] =	ssyncset.done $0x0  }
0x117: {  	[sflag:s23] =	ssyncadd.s32 $0xFFFF3D00  }
0x118: {  	_ =	swait.ge [sflag:s23], $0x80  }
0x119: {  	s7 =	simm.s32 $0xFFFFFFF8;
	[sflag:s23] =	ssyncset.done $0x0  }
0x11a: {  	s9 =	simm.s32 $0x19740;
	s8 =	simm.s32 $0x1B740;
	[sflag:s23] =	ssyncadd.s32 $0xFFFFFF80  }
.LBB2_13:
0x11b: {  	v0 =	vld [tilespmem:s9+$0xFFFFFFC0];
	_ =	sdelay $0x4  }
0x11c: {  	v0 =	vadd.s32 $0xFFFF3C80, v0  }
0x11d: {  	vm0 =	vlt.s32 v0, $0x0  }
0x11e: {  	v0 =	vsel vm0, $0x0, v0;
	_ =	sdelay $0x3  }
0x11f: {  	v1 =	vld [tilespmem:s8+$0xFFFFFFC0]  }
0x120: {  	v0 =	vld.idx.msk [tilespmem:v0+s19+$0x0], $0xffff;
	_ =	sdelay $0x4  }
0x121: {  	v0 =	vsel vm0, v1, v0  }
0x122: {  	[tilespmem:s8+$0xFFFFFFC0] =	vst v0  }
0x123: {  	v0 =	vld [tilespmem:s9+$0xFFFFFFD0];
	_ =	sdelay $0x4  }
0x124: {  	v0 =	vadd.s32 $0xFFFF3C80, v0  }
0x125: {  	vm9 =	vlt.s32 v0, $0x0  }
0x126: {  	v0 =	vsel vm9, $0x0, v0;
	_ =	sdelay $0x3  }
0x127: {  	v57 =	vld [tilespmem:s8+$0xFFFFFFD0]  }
0x128: {  	v0 =	vld.idx.msk [tilespmem:v0+s19+$0x0], $0xffff;
	_ =	sdelay $0x4  }
0x129: {  	v0 =	vsel vm9, v57, v0  }
0x12a: {  	[tilespmem:s8+$0xFFFFFFD0] =	vst v0  }
0x12b: {  	v0 =	vld [tilespmem:s9+$0xFFFFFFE0];
	_ =	sdelay $0x4  }
0x12c: {  	v0 =	vadd.s32 $0xFFFF3C80, v0  }
0x12d: {  	vm10 =	vlt.s32 v0, $0x0  }
0x12e: {  	v0 =	vsel vm10, $0x0, v0;
	_ =	sdelay $0x3  }
0x12f: {  	v58 =	vld [tilespmem:s8+$0xFFFFFFE0]  }
0x130: {  	v0 =	vld.idx.msk [tilespmem:v0+s19+$0x0], $0xffff;
	_ =	sdelay $0x4  }
0x131: {  	v0 =	vsel vm10, v58, v0  }
0x132: {  	[tilespmem:s8+$0xFFFFFFE0] =	vst v0  }
0x133: {  	v0 =	vld [tilespmem:s9+$0xFFFFFFF0];
	_ =	sdelay $0x4  }
0x134: {  	v0 =	vadd.s32 $0xFFFF3C80, v0  }
0x135: {  	vm11 =	vlt.s32 v0, $0x0  }
0x136: {  	v0 =	vsel vm11, $0x0, v0;
	_ =	sdelay $0x3  }
0x137: {  	v59 =	vld [tilespmem:s8+$0xFFFFFFF0]  }
0x138: {  	v0 =	vld.idx.msk [tilespmem:v0+s19+$0x0], $0xffff;
	_ =	sdelay $0x4  }
0x139: {  	v0 =	vsel vm11, v59, v0  }
0x13a: {  	[tilespmem:s8+$0xFFFFFFF0] =	vst v0  }
0x13b: {  	v0 =	vld [tilespmem:s9+$0x0];
	_ =	sdelay $0x4  }
0x13c: {  	v0 =	vadd.s32 $0xFFFF3C80, v0  }
0x13d: {  	vm12 =	vlt.s32 v0, $0x0  }
0x13e: {  	v0 =	vsel vm12, $0x0, v0;
	_ =	sdelay $0x3  }
0x13f: {  	v60 =	vld [tilespmem:s8+$0x0]  }
0x140: {  	v0 =	vld.idx.msk [tilespmem:v0+s19+$0x0], $0xffff;
	_ =	sdelay $0x4  }
0x141: {  	v0 =	vsel vm12, v60, v0  }
0x142: {  	[tilespmem:s8+$0x0] =	vst v0  }
0x143: {  	v0 =	vld [tilespmem:s9+$0x10];
	_ =	sdelay $0x4  }
0x144: {  	v0 =	vadd.s32 $0xFFFF3C80, v0  }
0x145: {  	vm13 =	vlt.s32 v0, $0x0  }
0x146: {  	v0 =	vsel vm13, $0x0, v0;
	_ =	sdelay $0x3  }
0x147: {  	v61 =	vld [tilespmem:s8+$0x10]  }
0x148: {  	v0 =	vld.idx.msk [tilespmem:v0+s19+$0x0], $0xffff;
	_ =	sdelay $0x4  }
0x149: {  	v0 =	vsel vm13, v61, v0  }
0x14a: {  	[tilespmem:s8+$0x10] =	vst v0  }
0x14b: {  	v0 =	vld [tilespmem:s9+$0x20];
	_ =	sdelay $0x4  }
0x14c: {  	v0 =	vadd.s32 $0xFFFF3C80, v0  }
0x14d: {  	vm14 =	vlt.s32 v0, $0x0  }
0x14e: {  	v0 =	vsel vm14, $0x0, v0;
	_ =	sdelay $0x3  }
0x14f: {  	v62 =	vld [tilespmem:s8+$0x20]  }
0x150: {  	v0 =	vld.idx.msk [tilespmem:v0+s19+$0x0], $0xffff;
	_ =	sdelay $0x4  }
0x151: {  	v0 =	vsel vm14, v62, v0  }
0x152: {  	[tilespmem:s8+$0x20] =	vst v0  }
0x153: {  	v0 =	vld [tilespmem:s9+$0x30];
	_ =	sdelay $0x4  }
0x154: {  	v0 =	vadd.s32 $0xFFFF3C80, v0  }
0x155: {  	vm15 =	vlt.s32 v0, $0x0  }
0x156: {  	v0 =	vsel vm15, $0x0, v0;
	_ =	sdelay $0x3  }
0x157: {  	v63 =	vld [tilespmem:s8+$0x30]  }
0x158: {  	s7 =	sadd.s32 $0x8, s7;
	v0 =	vld.idx.msk [tilespmem:v0+s19+$0x0], $0xffff  }
0x159: {  	p1 =	slt.u32 s7, $0xF8  }
.Ltmp8:
0x15a: {  	_ = 	snop;
	(pc) =	sbr.rel @p1 .LBB2_13-.Ltmp8, $3  }
0x15b: {  	_ =	sdelay $0x1  }
0x15c: {  	v0 =	vsel vm15, v63, v0  }
0x15d: {  	s9 =	sadd.s32 $0x80, s9;
	[tilespmem:s8+$0x30] =	vst v0;
	s8 =	sadd.s32 $0x80, s8  }
.Ltmp9:
0x15e: {  	(pc) =	sbr.rel @p0 .LBB2_16-.Ltmp9, $1  }
0x15f: {  	_ =	sdelay $0x3  }
0x160: {  	s7 =	sadd.s32 $0x2, s2  }
0x161: {  	s8 =	smul.u32 $0x61C00, s7;
	_ =	sdelay $0x1  }
0x162: {  	s8 =	sadd.s32 s1, s8  }
0x163: {  	s7 =	sshll.u32 s7, $0x9;
	s8 =	sadd.s32 s6, s8  }
0x164: {  	s7 =	sadd.s32 s5, s7;
	s8 =	sadd.s32 $0xC380, s8  }
0x165: {  	[tilespmem:s19], [sflag:$0x2] =	stream.strided.gather [hbm4b:s8+s15], $0xC300, s16, s15, $0x38;
	[tilespmem:$0x1C700] =	vst v63  }
0x166: {  	s0 =	sshll.u32 s0, $0xE;
	s7 =	sadd.s32 s10, s7  }
0x167: {  	[tilespmem:s20], [sflag:$0x2] =	stream.linear.gather [hbm4b:s7+s4], $0x80, $0x38;
	[tilespmem:$0x1C700] =	vst v63  }
0x168: {  	s11 =	sadd.s32 $0x3, s2;
	s0 =	sadd.s32 s0, s12  }
0x169: {  	[hbm4b:s0+s15] =	stream.strided.scatter [tilespmem:s28], [sflag:$0x6], $0x1000, s16, s15, $0x38;
	[tilespmem:$0x1C700] =	vst v63  }
.Ltmp10:
0x16a: {  	s2 =	sshll.u32 s11, $0x4;
	(pc) =	sbr.rel .LBB2_2-.Ltmp10, $4  }
0x16b: {  	s2 =	sand.u32 $0x70, s2;
	s0 =	sshll.u32 s11, $0x9  }
0x16c: {  	s2 =	sadd.s32 s3, s2;
	s0 =	sand.u32 $0x7000, s0  }
0x16d: {  	s31 =	sadd.s32 $0x1, s31;
	s0 =	sadd.s32 s0, s2  }
0x16e: {  	[tilespmem:s18], [sflag:$0x4] =	stream.strided.gather [hbm4b:s0+s15], $0x1000, s16, s15, $0x38;
	[tilespmem:$0x1C700] =	vst v63  }
.LBB2_17:
0x16f: {  	_ =	sfence.sel $0x180000  }
0x170: {  	[bflag:$0x0] =	sbarrier.arrive $0xFFFF  }
0x171: {  	_ =	strace $0x90000047  }
0x172: {  	s0 =	stileid.u32;
	[bflag:$0x2] =	sbarrier.arrive $0xFFFF  }
0x173: {  	p0 =	sne.s32 s0, $0x0;
	s0 =	rddreg [dreg:$0x3]  }
0x174: {  	s0 =	sadd.s32 @!p0 $0x100000, s0  }
0x175: {  	[sflag:s0] =	ssyncadd.tile.s32 @!p0 $0x1;
	_ =	shalt  }
.Lfunc_end2:
_tile_overlayer_lowered:
.L_overlay_start_2:
0x176: {  	(tag) =	ssettag $0x2  }
0x177: {  	s0 =	rddreg [dreg:$0x0];
	s2 =	stileid.u32  }
0x178: {  	s1 =	rddreg [dreg:$0x1];
	p0 =	sne.s32 s2, $0x0  }
0x179: {  	s3 =	rddreg [dreg:$0x2];
	[bflag:$0x3] =	sbarrier.arrive $0xFFFF;
	s2 =	simm.s32 @!p0 $0x1C07  }
0x17a: {  	[timem:s3], [sflag:s2] =	dma.local @!p0 [hbm:s0], s1  }
0x17b: {  	s0 =	simm.s32 @!p0 $0x7  }
0x17c: {  	_ =	swait.ge @!p0 [sflag:s0], s1  }
0x17d: {  	s1 =	ssub.s32 @!p0 $0x0, s1;
	[sflag:s0] =	ssyncset.done @!p0 $0x0  }
0x17e: {  	[sflag:s0] =	ssyncadd.s32 @!p0 s1  }
0x17f: {  	[bflag:$0x3] =	sbarrier.arrive $0xFFFF  }
0x180: {  	_ =	shalt  }

</sc_bundles>
